<compile_context>
chip_gen: v7x
topology: tpu7x:2x2x1
jax: 0.10.2.dev20260603
libtpu: 0.0.44.dev20260713+nightly
codegen_flags: <defaults>
</compile_context>

<pallas_src>
import functools

import jax
import jax.numpy as jnp
from jax import lax
from jax.experimental import pallas as pl
from jax.experimental.pallas import tpu as pltpu
from jax.experimental.pallas import tpu_sc as plsc

N = 10000
D = 128
E = 320000

NC = 2
NS = 16
NW = NC * NS
NPAD = 10240
CHUNK = 128
CPT = 79
EPT = CPT * CHUNK
E_PAD = NW * EPT
ROWS_PER_TILE = NPAD // NS

_mesh = plsc.VectorSubcoreMesh(core_axis_name="c", subcore_axis_name="s")


@functools.partial(
    pl.kernel,
    mesh=_mesh,
    out_type=jax.ShapeDtypeStruct((NC, NPAD), jnp.float32),
    scratch_types=[
        pltpu.VMEM((CHUNK,), jnp.int32),
        pltpu.VMEM((CHUNK,), jnp.int32),
        pltpu.VMEM((CHUNK,), jnp.float32),
        pltpu.VMEM((ROWS_PER_TILE,), jnp.float32),
        pltpu.VMEM_SHARED((NPAD,), jnp.float32),
        pltpu.SemaphoreType.DMA,
        pltpu.SemaphoreType.DMA,
    ],
)
def _deg_kernel(dst_hbm, degp_hbm, idx0, idx1, ones_v, zbuf_v, deg_sh,
                dsem0, dsem1):
    cid = lax.axis_index("c")
    sid = lax.axis_index("s")
    wid = cid * NS + sid

    for k in range(CHUNK // 16):
        ones_v[pl.ds(k * 16, 16)] = jnp.ones((16,), jnp.float32)
        idx0[pl.ds(k * 16, 16)] = jnp.full((16,), N, jnp.int32)
        idx1[pl.ds(k * 16, 16)] = jnp.full((16,), N, jnp.int32)
    for k in range(ROWS_PER_TILE // 16):
        zbuf_v[pl.ds(k * 16, 16)] = jnp.zeros((16,), jnp.float32)
    pltpu.sync_copy(zbuf_v, deg_sh.at[pl.ds(sid * ROWS_PER_TILE, ROWS_PER_TILE)])
    plsc.subcore_barrier()

    pltpu.async_copy(ones_v, deg_sh.at[idx0], dsem0, add=True)
    pltpu.async_copy(ones_v, deg_sh.at[idx1], dsem1, add=True)

    def step(c, idx, dsem):
        base = wid * EPT + c * CHUNK
        pltpu.make_async_copy(ones_v, deg_sh.at[idx], dsem).wait()
        pltpu.sync_copy(dst_hbm.at[pl.ds(base, CHUNK)], idx)
        pltpu.async_copy(ones_v, deg_sh.at[idx], dsem, add=True)

    def body(j, carry):
        step(2 * j, idx0, dsem0)
        step(2 * j + 1, idx1, dsem1)
        return carry

    lax.fori_loop(0, CPT // 2, body, 0)
    step(CPT - 1, idx0, dsem0)
    pltpu.make_async_copy(ones_v, deg_sh.at[idx0], dsem0).wait()
    pltpu.make_async_copy(ones_v, deg_sh.at[idx1], dsem1).wait()
    plsc.subcore_barrier()
    pltpu.sync_copy(
        deg_sh.at[pl.ds(sid * ROWS_PER_TILE, ROWS_PER_TILE)],
        degp_hbm.at[cid, pl.ds(sid * ROWS_PER_TILE, ROWS_PER_TILE)],
    )


@functools.partial(
    pl.kernel,
    mesh=_mesh,
    out_type=jax.ShapeDtypeStruct((NC, NPAD, D), jnp.float32),
    scratch_types=[
        pltpu.VMEM((CHUNK,), jnp.int32),
        pltpu.VMEM((CHUNK,), jnp.int32),
        pltpu.VMEM((CHUNK,), jnp.int32),
        pltpu.VMEM((CHUNK,), jnp.int32),
        pltpu.VMEM((CHUNK, D), jnp.float32),
        pltpu.VMEM((CHUNK, D), jnp.float32),
        pltpu.VMEM_SHARED((NPAD, D), jnp.float32),
        pltpu.SemaphoreType.DMA,
        pltpu.SemaphoreType.DMA,
        pltpu.SemaphoreType.DMA,
    ],
)
def _agg_kernel(src_hbm, dst_hbm, xp_hbm, accp_hbm, idx_s0, idx_d0, idx_s1,
                idx_d1, rows0, rows1, acc_sh, gsem, ssem0, ssem1):
    cid = lax.axis_index("c")
    sid = lax.axis_index("s")
    wid = cid * NS + sid

    def zbody(i, carry):
        for k in range(D // 16):
            rows0[i, pl.ds(k * 16, 16)] = jnp.zeros((16,), jnp.float32)
        return carry

    lax.fori_loop(0, CHUNK, zbody, 0)
    for r in range(ROWS_PER_TILE // CHUNK):
        pltpu.sync_copy(
            rows0, acc_sh.at[pl.ds(sid * ROWS_PER_TILE + r * CHUNK, CHUNK)]
        )
    for k in range(CHUNK // 16):
        idx_d0[pl.ds(k * 16, 16)] = jnp.full((16,), N, jnp.int32)
        idx_d1[pl.ds(k * 16, 16)] = jnp.full((16,), N, jnp.int32)
    plsc.subcore_barrier()

    pltpu.async_copy(rows0, acc_sh.at[idx_d0], ssem0, add=True)
    pltpu.async_copy(rows1, acc_sh.at[idx_d1], ssem1, add=True)

    def step(c, idx_s, idx_d, rows, ssem):
        base = wid * EPT + c * CHUNK
        pltpu.sync_copy(src_hbm.at[pl.ds(base, CHUNK)], idx_s)
        pltpu.make_async_copy(rows, acc_sh.at[idx_d], ssem).wait()
        cp = pltpu.async_copy(xp_hbm.at[idx_s], rows, gsem)
        pltpu.sync_copy(dst_hbm.at[pl.ds(base, CHUNK)], idx_d)
        cp.wait()
        pltpu.async_copy(rows, acc_sh.at[idx_d], ssem, add=True)

    def ebody(j, carry):
        step(2 * j, idx_s0, idx_d0, rows0, ssem0)
        step(2 * j + 1, idx_s1, idx_d1, rows1, ssem1)
        return carry

    lax.fori_loop(0, CPT // 2, ebody, 0)
    step(CPT - 1, idx_s0, idx_d0, rows0, ssem0)
    pltpu.make_async_copy(rows0, acc_sh.at[idx_d0], ssem0).wait()
    pltpu.make_async_copy(rows1, acc_sh.at[idx_d1], ssem1).wait()
    plsc.subcore_barrier()
    pltpu.sync_copy(
        acc_sh.at[pl.ds(sid * ROWS_PER_TILE, ROWS_PER_TILE)],
        accp_hbm.at[cid, pl.ds(sid * ROWS_PER_TILE, ROWS_PER_TILE)],
    )


_BR = 256


def _scale_body(x_r, da_r, db_r, xp_r, x2_r, dis_r):
    deg = da_r[...] + db_r[...] + 1.0
    dis = lax.rsqrt(deg)
    xv = x_r[...]
    xp = xv * dis
    xp_r[...] = xp
    x2_r[...] = xp * dis
    dis_r[...] = dis


def _out_body(a0_r, a1_r, x2_r, dis_r, w_r, b_r, o_r):
    m = (a0_r[...] + a1_r[...]) * dis_r[...] + x2_r[...]
    o_r[...] = (
        jnp.dot(m, w_r[...], preferred_element_type=jnp.float32) + b_r[...]
    )


def kernel(x, edge_index, W, b):
    src = edge_index[0]
    dst = edge_index[1]
    pad_e = E_PAD - E
    pad_idx = jnp.full((pad_e,), N, jnp.int32)
    src_p = jnp.concatenate([src, pad_idx])
    dst_p = jnp.concatenate([dst, pad_idx])
    x_p = jnp.pad(x, ((0, NPAD - N), (0, 0)))

    degp = _deg_kernel(dst_p)
    dega = degp[0].reshape(NPAD, 1)
    degb = degp[1].reshape(NPAD, 1)

    grid = NPAD // _BR
    row_spec = pl.BlockSpec((_BR, D), lambda i: (i, 0))
    col_spec = pl.BlockSpec((_BR, 1), lambda i: (i, 0))
    xp, x2, dis = pl.pallas_call(
        _scale_body,
        grid=(grid,),
        in_specs=[row_spec, col_spec, col_spec],
        out_specs=[row_spec, row_spec, col_spec],
        out_shape=[
            jax.ShapeDtypeStruct((NPAD, D), jnp.float32),
            jax.ShapeDtypeStruct((NPAD, D), jnp.float32),
            jax.ShapeDtypeStruct((NPAD, 1), jnp.float32),
        ],
    )(x_p, dega, degb)

    accp = _agg_kernel(src_p, dst_p, xp)

    o = pl.pallas_call(
        _out_body,
        grid=(grid,),
        in_specs=[
            row_spec,
            row_spec,
            row_spec,
            col_spec,
            pl.BlockSpec((D, D), lambda i: (0, 0)),
            pl.BlockSpec((1, D), lambda i: (0, 0)),
        ],
        out_specs=row_spec,
        out_shape=jax.ShapeDtypeStruct((NPAD, D), jnp.float32),
    )(accp[0], accp[1], x2, dis, W, b.reshape(1, D))

    return o[:N]

# --- scband reference (transcript-rebuilt; emitter-appended) ---
"""Pipeline reference for scband-linear-encoder-14061722927346 (READ-ONLY COPY).

The authoritative reference and input builder live on the scoring server;
editing this copy changes nothing except your own understanding.
"""

import jax, jax.numpy as jnp
import numpy as np

N_NODES = 10000
N_EDGES = 320000
D_IN = 128
D_OUT = 128


def setup_inputs(seed: int = 0) -> dict:
    key = jax.random.key(seed)
    k1, k2, k3 = jax.random.split(key, 3)
    x = jax.random.normal(k1, (N_NODES, D_IN), dtype=jnp.float32)
    edge_index = jax.random.randint(k2, (2, N_EDGES), 0, N_NODES, dtype=jnp.int32)
    # GCNConv linear weight (glorot-ish init) and bias
    W = jax.random.normal(k3, (D_IN, D_OUT), dtype=jnp.float32) * (1.0 / np.sqrt(D_IN))
    b = jnp.zeros((D_OUT,), dtype=jnp.float32)
    return {"x": x, "edge_index": edge_index, "W": W, "b": b}


def reference(x, edge_index, W, b):
    # Faithful GCNConv (PyG defaults: add_self_loops=True, normalize=True, bias=True)
    n = x.shape[0]
    src = edge_index[0]
    dst = edge_index[1]
    # add self loops
    loop = jnp.arange(n, dtype=edge_index.dtype)
    src = jnp.concatenate([src, loop])
    dst = jnp.concatenate([dst, loop])
    edge_weight = jnp.ones(src.shape[0], dtype=x.dtype)
    # symmetric normalization: deg computed on dst (col)
    deg = jnp.zeros((n,), dtype=x.dtype).at[dst].add(edge_weight)
    deg_inv_sqrt = jnp.where(deg > 0, jax.lax.rsqrt(jnp.maximum(deg, 1e-12)), 0.0)
    norm = deg_inv_sqrt[src] * edge_weight * deg_inv_sqrt[dst]
    # linear transform (no bias inside lin)
    h = x @ W
    # message passing: gather from src, weight, scatter-add to dst
    msg = h[src] * norm[:, None]
    out = jnp.zeros((n, h.shape[1]), dtype=h.dtype).at[dst].add(msg)
    return out + b

if __name__ == "__main__":
    import jax
    _d = setup_inputs()
    print(jax.jit(kernel)(*tuple(_d.values())))

</pallas_src>

<mosaic_0001>
#map = affine_map<(d0, d1) -> (0)>
#map1 = affine_map<(d0, d1) -> (0, 0)>
module attributes {stable_mosaic.version = 14 : i64} {
  func.func @_deg_kernel(%arg0: i32, %arg1: i32, %arg2: memref<323584xi32, #tpu.memory_space<hbm>>, %arg3: memref<2x10240xf32, #tpu.memory_space<hbm>>, %arg4: memref<128xi32, #tpu.memory_space<vmem>>, %arg5: memref<128xi32, #tpu.memory_space<vmem>>, %arg6: memref<128xf32, #tpu.memory_space<vmem>>, %arg7: memref<640xf32, #tpu.memory_space<vmem>>, %arg8: memref<10240xf32, #tpu.memory_space<vmem_shared>>, %arg9: memref<!tpu.dma_semaphore, #tpu.memory_space<semaphore_mem>>, %arg10: memref<!tpu.dma_semaphore, #tpu.memory_space<semaphore_mem>>) attributes {dimension_semantics = [#tpu.dimension_semantics<core_parallel>, #tpu.dimension_semantics<subcore_parallel>], iteration_bounds = array<i64: 2, 16>, scalar_prefetch = 0 : i64, scratch_operands = 7 : i64, tpu.core_type = #tpu.core_type<sc_vector_subcore>, window_params = [{transform_indices = #map}, {transform_indices = #map1}]} {
    %mul3A = arith.constant 16 : i32
    %mul3A_0 = arith.muli %arg0, %mul3A : i32
    %add3A = arith.addi %mul3A_0, %arg1 : i32
    %broadcast_in_dim3A = arith.constant 1.000000e+00 : f32
    %broadcast_in_dim3A_1 = vector.broadcast %broadcast_in_dim3A : f32 to vector<16xf32>
    %swap3A = arith.constant 0 : index
    %swap3A_2 = tpu.vector_load %arg6[%swap3A] {strides = array<i32>} : memref<128xf32, #tpu.memory_space<vmem>>, vector<16xf32>,
    %swap3A_3 = vector.shape_cast %swap3A_2 : vector<16xf32> to vector<16xf32>
    %swap3A_4 = vector.shape_cast %broadcast_in_dim3A_1 : vector<16xf32> to vector<16xf32>
    tpu.vector_store %arg6[%swap3A], %swap3A_4 {strides = array<i32>} : memref<128xf32, #tpu.memory_space<vmem>>, vector<16xf32>,
    %broadcast_in_dim3A_5 = arith.constant 10000 : i32
    %broadcast_in_dim3A_6 = vector.broadcast %broadcast_in_dim3A_5 : i32 to vector<16xi32>
    %swap3A_7 = arith.constant 0 : index
    %swap3A_8 = tpu.vector_load %arg4[%swap3A_7] {strides = array<i32>} : memref<128xi32, #tpu.memory_space<vmem>>, vector<16xi32>,
    %swap3A_9 = vector.shape_cast %swap3A_8 : vector<16xi32> to vector<16xi32>
    %swap3A_10 = vector.shape_cast %broadcast_in_dim3A_6 : vector<16xi32> to vector<16xi32>
    tpu.vector_store %arg4[%swap3A_7], %swap3A_10 {strides = array<i32>} : memref<128xi32, #tpu.memory_space<vmem>>, vector<16xi32>,
    %broadcast_in_dim3A_11 = arith.constant 10000 : i32
    %broadcast_in_dim3A_12 = vector.broadcast %broadcast_in_dim3A_11 : i32 to vector<16xi32>
    %swap3A_13 = arith.constant 0 : index
    %swap3A_14 = tpu.vector_load %arg5[%swap3A_13] {strides = array<i32>} : memref<128xi32, #tpu.memory_space<vmem>>, vector<16xi32>,
    %swap3A_15 = vector.shape_cast %swap3A_14 : vector<16xi32> to vector<16xi32>
    %swap3A_16 = vector.shape_cast %broadcast_in_dim3A_12 : vector<16xi32> to vector<16xi32>
    tpu.vector_store %arg5[%swap3A_13], %swap3A_16 {strides = array<i32>} : memref<128xi32, #tpu.memory_space<vmem>>, vector<16xi32>,
    %broadcast_in_dim3A_17 = arith.constant 1.000000e+00 : f32
    %broadcast_in_dim3A_18 = vector.broadcast %broadcast_in_dim3A_17 : f32 to vector<16xf32>
    %swap3A_19 = arith.constant 16 : index
    %swap3A_20 = tpu.vector_load %arg6[%swap3A_19] {strides = array<i32>} : memref<128xf32, #tpu.memory_space<vmem>>, vector<16xf32>,
    %swap3A_21 = vector.shape_cast %swap3A_20 : vector<16xf32> to vector<16xf32>
    %swap3A_22 = vector.shape_cast %broadcast_in_dim3A_18 : vector<16xf32> to vector<16xf32>
    tpu.vector_store %arg6[%swap3A_19], %swap3A_22 {strides = array<i32>} : memref<128xf32, #tpu.memory_space<vmem>>, vector<16xf32>,
    %broadcast_in_dim3A_23 = arith.constant 10000 : i32
    %broadcast_in_dim3A_24 = vector.broadcast %broadcast_in_dim3A_23 : i32 to vector<16xi32>
    %swap3A_25 = arith.constant 16 : index
    %swap3A_26 = tpu.vector_load %arg4[%swap3A_25] {strides = array<i32>} : memref<128xi32, #tpu.memory_space<vmem>>, vector<16xi32>,
    %swap3A_27 = vector.shape_cast %swap3A_26 : vector<16xi32> to vector<16xi32>
    %swap3A_28 = vector.shape_cast %broadcast_in_dim3A_24 : vector<16xi32> to vector<16xi32>
    tpu.vector_store %arg4[%swap3A_25], %swap3A_28 {strides = array<i32>} : memref<128xi32, #tpu.memory_space<vmem>>, vector<16xi32>,
    %broadcast_in_dim3A_29 = arith.constant 10000 : i32
    %broadcast_in_dim3A_30 = vector.broadcast %broadcast_in_dim3A_29 : i32 to vector<16xi32>
    %swap3A_31 = arith.constant 16 : index
    %swap3A_32 = tpu.vector_load %arg5[%swap3A_31] {strides = array<i32>} : memref<128xi32, #tpu.memory_space<vmem>>, vector<16xi32>,
    %swap3A_33 = vector.shape_cast %swap3A_32 : vector<16xi32> to vector<16xi32>
    %swap3A_34 = vector.shape_cast %broadcast_in_dim3A_30 : vector<16xi32> to vector<16xi32>
    tpu.vector_store %arg5[%swap3A_31], %swap3A_34 {strides = array<i32>} : memref<128xi32, #tpu.memory_space<vmem>>, vector<16xi32>,
    %broadcast_in_dim3A_35 = arith.constant 1.000000e+00 : f32
    %broadcast_in_dim3A_36 = vector.broadcast %broadcast_in_dim3A_35 : f32 to vector<16xf32>
    %swap3A_37 = arith.constant 32 : index
    %swap3A_38 = tpu.vector_load %arg6[%swap3A_37] {strides = array<i32>} : memref<128xf32, #tpu.memory_space<vmem>>, vector<16xf32>,
    %swap3A_39 = vector.shape_cast %swap3A_38 : vector<16xf32> to vector<16xf32>
    %swap3A_40 = vector.shape_cast %broadcast_in_dim3A_36 : vector<16xf32> to vector<16xf32>
    tpu.vector_store %arg6[%swap3A_37], %swap3A_40 {strides = array<i32>} : memref<128xf32, #tpu.memory_space<vmem>>, vector<16xf32>,
    %broadcast_in_dim3A_41 = arith.constant 10000 : i32
    %broadcast_in_dim3A_42 = vector.broadcast %broadcast_in_dim3A_41 : i32 to vector<16xi32>
    %swap3A_43 = arith.constant 32 : index
    %swap3A_44 = tpu.vector_load %arg4[%swap3A_43] {strides = array<i32>} : memref<128xi32, #tpu.memory_space<vmem>>, vector<16xi32>,
    %swap3A_45 = vector.shape_cast %swap3A_44 : vector<16xi32> to vector<16xi32>
    %swap3A_46 = vector.shape_cast %broadcast_in_dim3A_42 : vector<16xi32> to vector<16xi32>
    tpu.vector_store %arg4[%swap3A_43], %swap3A_46 {strides = array<i32>} : memref<128xi32, #tpu.memory_space<vmem>>, vector<16xi32>,
    %broadcast_in_dim3A_47 = arith.constant 10000 : i32
    %broadcast_in_dim3A_48 = vector.broadcast %broadcast_in_dim3A_47 : i32 to vector<16xi32>
    %swap3A_49 = arith.constant 32 : index
    %swap3A_50 = tpu.vector_load %arg5[%swap3A_49] {strides = array<i32>} : memref<128xi32, #tpu.memory_space<vmem>>, vector<16xi32>,
    %swap3A_51 = vector.shape_cast %swap3A_50 : vector<16xi32> to vector<16xi32>
    %swap3A_52 = vector.shape_cast %broadcast_in_dim3A_48 : vector<16xi32> to vector<16xi32>
    tpu.vector_store %arg5[%swap3A_49], %swap3A_52 {strides = array<i32>} : memref<128xi32, #tpu.memory_space<vmem>>, vector<16xi32>,
    %broadcast_in_dim3A_53 = arith.constant 1.000000e+00 : f32
    %broadcast_in_dim3A_54 = vector.broadcast %broadcast_in_dim3A_53 : f32 to vector<16xf32>
    %swap3A_55 = arith.constant 48 : index
    %swap3A_56 = tpu.vector_load %arg6[%swap3A_55] {strides = array<i32>} : memref<128xf32, #tpu.memory_space<vmem>>, vector<16xf32>,
    %swap3A_57 = vector.shape_cast %swap3A_56 : vector<16xf32> to vector<16xf32>
    %swap3A_58 = vector.shape_cast %broadcast_in_dim3A_54 : vector<16xf32> to vector<16xf32>
    tpu.vector_store %arg6[%swap3A_55], %swap3A_58 {strides = array<i32>} : memref<128xf32, #tpu.memory_space<vmem>>, vector<16xf32>,
    %broadcast_in_dim3A_59 = arith.constant 10000 : i32
    %broadcast_in_dim3A_60 = vector.broadcast %broadcast_in_dim3A_59 : i32 to vector<16xi32>
    %swap3A_61 = arith.constant 48 : index
    %swap3A_62 = tpu.vector_load %arg4[%swap3A_61] {strides = array<i32>} : memref<128xi32, #tpu.memory_space<vmem>>, vector<16xi32>,
    %swap3A_63 = vector.shape_cast %swap3A_62 : vector<16xi32> to vector<16xi32>
    %swap3A_64 = vector.shape_cast %broadcast_in_dim3A_60 : vector<16xi32> to vector<16xi32>
    tpu.vector_store %arg4[%swap3A_61], %swap3A_64 {strides = array<i32>} : memref<128xi32, #tpu.memory_space<vmem>>, vector<16xi32>,
    %broadcast_in_dim3A_65 = arith.constant 10000 : i32
    %broadcast_in_dim3A_66 = vector.broadcast %broadcast_in_dim3A_65 : i32 to vector<16xi32>
    %swap3A_67 = arith.constant 48 : index
    %swap3A_68 = tpu.vector_load %arg5[%swap3A_67] {strides = array<i32>} : memref<128xi32, #tpu.memory_space<vmem>>, vector<16xi32>,
    %swap3A_69 = vector.shape_cast %swap3A_68 : vector<16xi32> to vector<16xi32>
    %swap3A_70 = vector.shape_cast %broadcast_in_dim3A_66 : vector<16xi32> to vector<16xi32>
    tpu.vector_store %arg5[%swap3A_67], %swap3A_70 {strides = array<i32>} : memref<128xi32, #tpu.memory_space<vmem>>, vector<16xi32>,
    %broadcast_in_dim3A_71 = arith.constant 1.000000e+00 : f32
    %broadcast_in_dim3A_72 = vector.broadcast %broadcast_in_dim3A_71 : f32 to vector<16xf32>
    %swap3A_73 = arith.constant 64 : index
    %swap3A_74 = tpu.vector_load %arg6[%swap3A_73] {strides = array<i32>} : memref<128xf32, #tpu.memory_space<vmem>>, vector<16xf32>,
    %swap3A_75 = vector.shape_cast %swap3A_74 : vector<16xf32> to vector<16xf32>
    %swap3A_76 = vector.shape_cast %broadcast_in_dim3A_72 : vector<16xf32> to vector<16xf32>
    tpu.vector_store %arg6[%swap3A_73], %swap3A_76 {strides = array<i32>} : memref<128xf32, #tpu.memory_space<vmem>>, vector<16xf32>,
    %broadcast_in_dim3A_77 = arith.constant 10000 : i32
    %broadcast_in_dim3A_78 = vector.broadcast %broadcast_in_dim3A_77 : i32 to vector<16xi32>
    %swap3A_79 = arith.constant 64 : index
    %swap3A_80 = tpu.vector_load %arg4[%swap3A_79] {strides = array<i32>} : memref<128xi32, #tpu.memory_space<vmem>>, vector<16xi32>,
    %swap3A_81 = vector.shape_cast %swap3A_80 : vector<16xi32> to vector<16xi32>
    %swap3A_82 = vector.shape_cast %broadcast_in_dim3A_78 : vector<16xi32> to vector<16xi32>
    tpu.vector_store %arg4[%swap3A_79], %swap3A_82 {strides = array<i32>} : memref<128xi32, #tpu.memory_space<vmem>>, vector<16xi32>,
    %broadcast_in_dim3A_83 = arith.constant 10000 : i32
    %broadcast_in_dim3A_84 = vector.broadcast %broadcast_in_dim3A_83 : i32 to vector<16xi32>
    %swap3A_85 = arith.constant 64 : index
    %swap3A_86 = tpu.vector_load %arg5[%swap3A_85] {strides = array<i32>} : memref<128xi32, #tpu.memory_space<vmem>>, vector<16xi32>,
    %swap3A_87 = vector.shape_cast %swap3A_86 : vector<16xi32> to vector<16xi32>
    %swap3A_88 = vector.shape_cast %broadcast_in_dim3A_84 : vector<16xi32> to vector<16xi32>
    tpu.vector_store %arg5[%swap3A_85], %swap3A_88 {strides = array<i32>} : memref<128xi32, #tpu.memory_space<vmem>>, vector<16xi32>,
    %broadcast_in_dim3A_89 = arith.constant 1.000000e+00 : f32
    %broadcast_in_dim3A_90 = vector.broadcast %broadcast_in_dim3A_89 : f32 to vector<16xf32>
    %swap3A_91 = arith.constant 80 : index
    %swap3A_92 = tpu.vector_load %arg6[%swap3A_91] {strides = array<i32>} : memref<128xf32, #tpu.memory_space<vmem>>, vector<16xf32>,
    %swap3A_93 = vector.shape_cast %swap3A_92 : vector<16xf32> to vector<16xf32>
    %swap3A_94 = vector.shape_cast %broadcast_in_dim3A_90 : vector<16xf32> to vector<16xf32>
    tpu.vector_store %arg6[%swap3A_91], %swap3A_94 {strides = array<i32>} : memref<128xf32, #tpu.memory_space<vmem>>, vector<16xf32>,
    %broadcast_in_dim3A_95 = arith.constant 10000 : i32
    %broadcast_in_dim3A_96 = vector.broadcast %broadcast_in_dim3A_95 : i32 to vector<16xi32>
    %swap3A_97 = arith.constant 80 : index
    %swap3A_98 = tpu.vector_load %arg4[%swap3A_97] {strides = array<i32>} : memref<128xi32, #tpu.memory_space<vmem>>, vector<16xi32>,
    %swap3A_99 = vector.shape_cast %swap3A_98 : vector<16xi32> to vector<16xi32>
    %swap3A_100 = vector.shape_cast %broadcast_in_dim3A_96 : vector<16xi32> to vector<16xi32>
    tpu.vector_store %arg4[%swap3A_97], %swap3A_100 {strides = array<i32>} : memref<128xi32, #tpu.memory_space<vmem>>, vector<16xi32>,
    %broadcast_in_dim3A_101 = arith.constant 10000 : i32
    %broadcast_in_dim3A_102 = vector.broadcast %broadcast_in_dim3A_101 : i32 to vector<16xi32>
    %swap3A_103 = arith.constant 80 : index
    %swap3A_104 = tpu.vector_load %arg5[%swap3A_103] {strides = array<i32>} : memref<128xi32, #tpu.memory_space<vmem>>, vector<16xi32>,
    %swap3A_105 = vector.shape_cast %swap3A_104 : vector<16xi32> to vector<16xi32>
    %swap3A_106 = vector.shape_cast %broadcast_in_dim3A_102 : vector<16xi32> to vector<16xi32>
    tpu.vector_store %arg5[%swap3A_103], %swap3A_106 {strides = array<i32>} : memref<128xi32, #tpu.memory_space<vmem>>, vector<16xi32>,
    %broadcast_in_dim3A_107 = arith.constant 1.000000e+00 : f32
    %broadcast_in_dim3A_108 = vector.broadcast %broadcast_in_dim3A_107 : f32 to vector<16xf32>
    %swap3A_109 = arith.constant 96 : index
    %swap3A_110 = tpu.vector_load %arg6[%swap3A_109] {strides = array<i32>} : memref<128xf32, #tpu.memory_space<vmem>>, vector<16xf32>,
    %swap3A_111 = vector.shape_cast %swap3A_110 : vector<16xf32> to vector<16xf32>
    %swap3A_112 = vector.shape_cast %broadcast_in_dim3A_108 : vector<16xf32> to vector<16xf32>
    tpu.vector_store %arg6[%swap3A_109], %swap3A_112 {strides = array<i32>} : memref<128xf32, #tpu.memory_space<vmem>>, vector<16xf32>,
    %broadcast_in_dim3A_113 = arith.constant 10000 : i32
    %broadcast_in_dim3A_114 = vector.broadcast %broadcast_in_dim3A_113 : i32 to vector<16xi32>
    %swap3A_115 = arith.constant 96 : index
    %swap3A_116 = tpu.vector_load %arg4[%swap3A_115] {strides = array<i32>} : memref<128xi32, #tpu.memory_space<vmem>>, vector<16xi32>,
    %swap3A_117 = vector.shape_cast %swap3A_116 : vector<16xi32> to vector<16xi32>
    %swap3A_118 = vector.shape_cast %broadcast_in_dim3A_114 : vector<16xi32> to vector<16xi32>
    tpu.vector_store %arg4[%swap3A_115], %swap3A_118 {strides = array<i32>} : memref<128xi32, #tpu.memory_space<vmem>>, vector<16xi32>,
    %broadcast_in_dim3A_119 = arith.constant 10000 : i32
    %broadcast_in_dim3A_120 = vector.broadcast %broadcast_in_dim3A_119 : i32 to vector<16xi32>
    %swap3A_121 = arith.constant 96 : index
    %swap3A_122 = tpu.vector_load %arg5[%swap3A_121] {strides = array<i32>} : memref<128xi32, #tpu.memory_space<vmem>>, vector<16xi32>,
    %swap3A_123 = vector.shape_cast %swap3A_122 : vector<16xi32> to vector<16xi32>
    %swap3A_124 = vector.shape_cast %broadcast_in_dim3A_120 : vector<16xi32> to vector<16xi32>
    tpu.vector_store %arg5[%swap3A_121], %swap3A_124 {strides = array<i32>} : memref<128xi32, #tpu.memory_space<vmem>>, vector<16xi32>,
    %broadcast_in_dim3A_125 = arith.constant 1.000000e+00 : f32
    %broadcast_in_dim3A_126 = vector.broadcast %broadcast_in_dim3A_125 : f32 to vector<16xf32>
    %swap3A_127 = arith.constant 112 : index
    %swap3A_128 = tpu.vector_load %arg6[%swap3A_127] {strides = array<i32>} : memref<128xf32, #tpu.memory_space<vmem>>, vector<16xf32>,
    %swap3A_129 = vector.shape_cast %swap3A_128 : vector<16xf32> to vector<16xf32>
    %swap3A_130 = vector.shape_cast %broadcast_in_dim3A_126 : vector<16xf32> to vector<16xf32>
    tpu.vector_store %arg6[%swap3A_127], %swap3A_130 {strides = array<i32>} : memref<128xf32, #tpu.memory_space<vmem>>, vector<16xf32>,
    %broadcast_in_dim3A_131 = arith.constant 10000 : i32
    %broadcast_in_dim3A_132 = vector.broadcast %broadcast_in_dim3A_131 : i32 to vector<16xi32>
    %swap3A_133 = arith.constant 112 : index
    %swap3A_134 = tpu.vector_load %arg4[%swap3A_133] {strides = array<i32>} : memref<128xi32, #tpu.memory_space<vmem>>, vector<16xi32>,
    %swap3A_135 = vector.shape_cast %swap3A_134 : vector<16xi32> to vector<16xi32>
    %swap3A_136 = vector.shape_cast %broadcast_in_dim3A_132 : vector<16xi32> to vector<16xi32>
    tpu.vector_store %arg4[%swap3A_133], %swap3A_136 {strides = array<i32>} : memref<128xi32, #tpu.memory_space<vmem>>, vector<16xi32>,
    %broadcast_in_dim3A_137 = arith.constant 10000 : i32
    %broadcast_in_dim3A_138 = vector.broadcast %broadcast_in_dim3A_137 : i32 to vector<16xi32>
    %swap3A_139 = arith.constant 112 : index
    %swap3A_140 = tpu.vector_load %arg5[%swap3A_139] {strides = array<i32>} : memref<128xi32, #tpu.memory_space<vmem>>, vector<16xi32>,
    %swap3A_141 = vector.shape_cast %swap3A_140 : vector<16xi32> to vector<16xi32>
    %swap3A_142 = vector.shape_cast %broadcast_in_dim3A_138 : vector<16xi32> to vector<16xi32>
    tpu.vector_store %arg5[%swap3A_139], %swap3A_142 {strides = array<i32>} : memref<128xi32, #tpu.memory_space<vmem>>, vector<16xi32>,
    %broadcast_in_dim3A_143 = arith.constant 0.000000e+00 : f32
    %broadcast_in_dim3A_144 = vector.broadcast %broadcast_in_dim3A_143 : f32 to vector<16xf32>
    %swap3A_145 = arith.constant 0 : index
    %swap3A_146 = tpu.vector_load %arg7[%swap3A_145] {strides = array<i32>} : memref<640xf32, #tpu.memory_space<vmem>>, vector<16xf32>,
    %swap3A_147 = vector.shape_cast %swap3A_146 : vector<16xf32> to vector<16xf32>
    %swap3A_148 = vector.shape_cast %broadcast_in_dim3A_144 : vector<16xf32> to vector<16xf32>
    tpu.vector_store %arg7[%swap3A_145], %swap3A_148 {strides = array<i32>} : memref<640xf32, #tpu.memory_space<vmem>>, vector<16xf32>,
    %broadcast_in_dim3A_149 = arith.constant 0.000000e+00 : f32
    %broadcast_in_dim3A_150 = vector.broadcast %broadcast_in_dim3A_149 : f32 to vector<16xf32>
    %swap3A_151 = arith.constant 16 : index
    %swap3A_152 = tpu.vector_load %arg7[%swap3A_151] {strides = array<i32>} : memref<640xf32, #tpu.memory_space<vmem>>, vector<16xf32>,
    %swap3A_153 = vector.shape_cast %swap3A_152 : vector<16xf32> to vector<16xf32>
    %swap3A_154 = vector.shape_cast %broadcast_in_dim3A_150 : vector<16xf32> to vector<16xf32>
    tpu.vector_store %arg7[%swap3A_151], %swap3A_154 {strides = array<i32>} : memref<640xf32, #tpu.memory_space<vmem>>, vector<16xf32>,
    %broadcast_in_dim3A_155 = arith.constant 0.000000e+00 : f32
    %broadcast_in_dim3A_156 = vector.broadcast %broadcast_in_dim3A_155 : f32 to vector<16xf32>
    %swap3A_157 = arith.constant 32 : index
    %swap3A_158 = tpu.vector_load %arg7[%swap3A_157] {strides = array<i32>} : memref<640xf32, #tpu.memory_space<vmem>>, vector<16xf32>,
    %swap3A_159 = vector.shape_cast %swap3A_158 : vector<16xf32> to vector<16xf32>
    %swap3A_160 = vector.shape_cast %broadcast_in_dim3A_156 : vector<16xf32> to vector<16xf32>
    tpu.vector_store %arg7[%swap3A_157], %swap3A_160 {strides = array<i32>} : memref<640xf32, #tpu.memory_space<vmem>>, vector<16xf32>,
    %broadcast_in_dim3A_161 = arith.constant 0.000000e+00 : f32
    %broadcast_in_dim3A_162 = vector.broadcast %broadcast_in_dim3A_161 : f32 to vector<16xf32>
    %swap3A_163 = arith.constant 48 : index
    %swap3A_164 = tpu.vector_load %arg7[%swap3A_163] {strides = array<i32>} : memref<640xf32, #tpu.memory_space<vmem>>, vector<16xf32>,
    %swap3A_165 = vector.shape_cast %swap3A_164 : vector<16xf32> to vector<16xf32>
    %swap3A_166 = vector.shape_cast %broadcast_in_dim3A_162 : vector<16xf32> to vector<16xf32>
    tpu.vector_store %arg7[%swap3A_163], %swap3A_166 {strides = array<i32>} : memref<640xf32, #tpu.memory_space<vmem>>, vector<16xf32>,
    %broadcast_in_dim3A_167 = arith.constant 0.000000e+00 : f32
    %broadcast_in_dim3A_168 = vector.broadcast %broadcast_in_dim3A_167 : f32 to vector<16xf32>
    %swap3A_169 = arith.constant 64 : index
    %swap3A_170 = tpu.vector_load %arg7[%swap3A_169] {strides = array<i32>} : memref<640xf32, #tpu.memory_space<vmem>>, vector<16xf32>,
    %swap3A_171 = vector.shape_cast %swap3A_170 : vector<16xf32> to vector<16xf32>
    %swap3A_172 = vector.shape_cast %broadcast_in_dim3A_168 : vector<16xf32> to vector<16xf32>
    tpu.vector_store %arg7[%swap3A_169], %swap3A_172 {strides = array<i32>} : memref<640xf32, #tpu.memory_space<vmem>>, vector<16xf32>,
    %broadcast_in_dim3A_173 = arith.constant 0.000000e+00 : f32
    %broadcast_in_dim3A_174 = vector.broadcast %broadcast_in_dim3A_173 : f32 to vector<16xf32>
    %swap3A_175 = arith.constant 80 : index
    %swap3A_176 = tpu.vector_load %arg7[%swap3A_175] {strides = array<i32>} : memref<640xf32, #tpu.memory_space<vmem>>, vector<16xf32>,
    %swap3A_177 = vector.shape_cast %swap3A_176 : vector<16xf32> to vector<16xf32>
    %swap3A_178 = vector.shape_cast %broadcast_in_dim3A_174 : vector<16xf32> to vector<16xf32>
    tpu.vector_store %arg7[%swap3A_175], %swap3A_178 {strides = array<i32>} : memref<640xf32, #tpu.memory_space<vmem>>, vector<16xf32>,
    %broadcast_in_dim3A_179 = arith.constant 0.000000e+00 : f32
    %broadcast_in_dim3A_180 = vector.broadcast %broadcast_in_dim3A_179 : f32 to vector<16xf32>
    %swap3A_181 = arith.constant 96 : index
    %swap3A_182 = tpu.vector_load %arg7[%swap3A_181] {strides = array<i32>} : memref<640xf32, #tpu.memory_space<vmem>>, vector<16xf32>,
    %swap3A_183 = vector.shape_cast %swap3A_182 : vector<16xf32> to vector<16xf32>
    %swap3A_184 = vector.shape_cast %broadcast_in_dim3A_180 : vector<16xf32> to vector<16xf32>
    tpu.vector_store %arg7[%swap3A_181], %swap3A_184 {strides = array<i32>} : memref<640xf32, #tpu.memory_space<vmem>>, vector<16xf32>,
    %broadcast_in_dim3A_185 = arith.constant 0.000000e+00 : f32
    %broadcast_in_dim3A_186 = vector.broadcast %broadcast_in_dim3A_185 : f32 to vector<16xf32>
    %swap3A_187 = arith.constant 112 : index
    %swap3A_188 = tpu.vector_load %arg7[%swap3A_187] {strides = array<i32>} : memref<640xf32, #tpu.memory_space<vmem>>, vector<16xf32>,
    %swap3A_189 = vector.shape_cast %swap3A_188 : vector<16xf32> to vector<16xf32>
    %swap3A_190 = vector.shape_cast %broadcast_in_dim3A_186 : vector<16xf32> to vector<16xf32>
    tpu.vector_store %arg7[%swap3A_187], %swap3A_190 {strides = array<i32>} : memref<640xf32, #tpu.memory_space<vmem>>, vector<16xf32>,
    %broadcast_in_dim3A_191 = arith.constant 0.000000e+00 : f32
    %broadcast_in_dim3A_192 = vector.broadcast %broadcast_in_dim3A_191 : f32 to vector<16xf32>
    %swap3A_193 = arith.constant 128 : index
    %swap3A_194 = tpu.vector_load %arg7[%swap3A_193] {strides = array<i32>} : memref<640xf32, #tpu.memory_space<vmem>>, vector<16xf32>,
    %swap3A_195 = vector.shape_cast %swap3A_194 : vector<16xf32> to vector<16xf32>
    %swap3A_196 = vector.shape_cast %broadcast_in_dim3A_192 : vector<16xf32> to vector<16xf32>
    tpu.vector_store %arg7[%swap3A_193], %swap3A_196 {strides = array<i32>} : memref<640xf32, #tpu.memory_space<vmem>>, vector<16xf32>,
    %broadcast_in_dim3A_197 = arith.constant 0.000000e+00 : f32
    %broadcast_in_dim3A_198 = vector.broadcast %broadcast_in_dim3A_197 : f32 to vector<16xf32>
    %swap3A_199 = arith.constant 144 : index
    %swap3A_200 = tpu.vector_load %arg7[%swap3A_199] {strides = array<i32>} : memref<640xf32, #tpu.memory_space<vmem>>, vector<16xf32>,
    %swap3A_201 = vector.shape_cast %swap3A_200 : vector<16xf32> to vector<16xf32>
    %swap3A_202 = vector.shape_cast %broadcast_in_dim3A_198 : vector<16xf32> to vector<16xf32>
    tpu.vector_store %arg7[%swap3A_199], %swap3A_202 {strides = array<i32>} : memref<640xf32, #tpu.memory_space<vmem>>, vector<16xf32>,
    %broadcast_in_dim3A_203 = arith.constant 0.000000e+00 : f32
    %broadcast_in_dim3A_204 = vector.broadcast %broadcast_in_dim3A_203 : f32 to vector<16xf32>
    %swap3A_205 = arith.constant 160 : index
    %swap3A_206 = tpu.vector_load %arg7[%swap3A_205] {strides = array<i32>} : memref<640xf32, #tpu.memory_space<vmem>>, vector<16xf32>,
    %swap3A_207 = vector.shape_cast %swap3A_206 : vector<16xf32> to vector<16xf32>
    %swap3A_208 = vector.shape_cast %broadcast_in_dim3A_204 : vector<16xf32> to vector<16xf32>
    tpu.vector_store %arg7[%swap3A_205], %swap3A_208 {strides = array<i32>} : memref<640xf32, #tpu.memory_space<vmem>>, vector<16xf32>,
    %broadcast_in_dim3A_209 = arith.constant 0.000000e+00 : f32
    %broadcast_in_dim3A_210 = vector.broadcast %broadcast_in_dim3A_209 : f32 to vector<16xf32>
    %swap3A_211 = arith.constant 176 : index
    %swap3A_212 = tpu.vector_load %arg7[%swap3A_211] {strides = array<i32>} : memref<640xf32, #tpu.memory_space<vmem>>, vector<16xf32>,
    %swap3A_213 = vector.shape_cast %swap3A_212 : vector<16xf32> to vector<16xf32>
    %swap3A_214 = vector.shape_cast %broadcast_in_dim3A_210 : vector<16xf32> to vector<16xf32>
    tpu.vector_store %arg7[%swap3A_211], %swap3A_214 {strides = array<i32>} : memref<640xf32, #tpu.memory_space<vmem>>, vector<16xf32>,
    %broadcast_in_dim3A_215 = arith.constant 0.000000e+00 : f32
    %broadcast_in_dim3A_216 = vector.broadcast %broadcast_in_dim3A_215 : f32 to vector<16xf32>
    %swap3A_217 = arith.constant 192 : index
    %swap3A_218 = tpu.vector_load %arg7[%swap3A_217] {strides = array<i32>} : memref<640xf32, #tpu.memory_space<vmem>>, vector<16xf32>,
    %swap3A_219 = vector.shape_cast %swap3A_218 : vector<16xf32> to vector<16xf32>
    %swap3A_220 = vector.shape_cast %broadcast_in_dim3A_216 : vector<16xf32> to vector<16xf32>
    tpu.vector_store %arg7[%swap3A_217], %swap3A_220 {strides = array<i32>} : memref<640xf32, #tpu.memory_space<vmem>>, vector<16xf32>,
    %broadcast_in_dim3A_221 = arith.constant 0.000000e+00 : f32
    %broadcast_in_dim3A_222 = vector.broadcast %broadcast_in_dim3A_221 : f32 to vector<16xf32>
    %swap3A_223 = arith.constant 208 : index
    %swap3A_224 = tpu.vector_load %arg7[%swap3A_223] {strides = array<i32>} : memref<640xf32, #tpu.memory_space<vmem>>, vector<16xf32>,
    %swap3A_225 = vector.shape_cast %swap3A_224 : vector<16xf32> to vector<16xf32>
    %swap3A_226 = vector.shape_cast %broadcast_in_dim3A_222 : vector<16xf32> to vector<16xf32>
    tpu.vector_store %arg7[%swap3A_223], %swap3A_226 {strides = array<i32>} : memref<640xf32, #tpu.memory_space<vmem>>, vector<16xf32>,
    %broadcast_in_dim3A_227 = arith.constant 0.000000e+00 : f32
    %broadcast_in_dim3A_228 = vector.broadcast %broadcast_in_dim3A_227 : f32 to vector<16xf32>
    %swap3A_229 = arith.constant 224 : index
    %swap3A_230 = tpu.vector_load %arg7[%swap3A_229] {strides = array<i32>} : memref<640xf32, #tpu.memory_space<vmem>>, vector<16xf32>,
    %swap3A_231 = vector.shape_cast %swap3A_230 : vector<16xf32> to vector<16xf32>
    %swap3A_232 = vector.shape_cast %broadcast_in_dim3A_228 : vector<16xf32> to vector<16xf32>
    tpu.vector_store %arg7[%swap3A_229], %swap3A_232 {strides = array<i32>} : memref<640xf32, #tpu.memory_space<vmem>>, vector<16xf32>,
    %broadcast_in_dim3A_233 = arith.constant 0.000000e+00 : f32
    %broadcast_in_dim3A_234 = vector.broadcast %broadcast_in_dim3A_233 : f32 to vector<16xf32>
    %swap3A_235 = arith.constant 240 : index
    %swap3A_236 = tpu.vector_load %arg7[%swap3A_235] {strides = array<i32>} : memref<640xf32, #tpu.memory_space<vmem>>, vector<16xf32>,
    %swap3A_237 = vector.shape_cast %swap3A_236 : vector<16xf32> to vector<16xf32>
    %swap3A_238 = vector.shape_cast %broadcast_in_dim3A_234 : vector<16xf32> to vector<16xf32>
    tpu.vector_store %arg7[%swap3A_235], %swap3A_238 {strides = array<i32>} : memref<640xf32, #tpu.memory_space<vmem>>, vector<16xf32>,
    %broadcast_in_dim3A_239 = arith.constant 0.000000e+00 : f32
    %broadcast_in_dim3A_240 = vector.broadcast %broadcast_in_dim3A_239 : f32 to vector<16xf32>
    %swap3A_241 = arith.constant 256 : index
    %swap3A_242 = tpu.vector_load %arg7[%swap3A_241] {strides = array<i32>} : memref<640xf32, #tpu.memory_space<vmem>>, vector<16xf32>,
    %swap3A_243 = vector.shape_cast %swap3A_242 : vector<16xf32> to vector<16xf32>
    %swap3A_244 = vector.shape_cast %broadcast_in_dim3A_240 : vector<16xf32> to vector<16xf32>
    tpu.vector_store %arg7[%swap3A_241], %swap3A_244 {strides = array<i32>} : memref<640xf32, #tpu.memory_space<vmem>>, vector<16xf32>,
    %broadcast_in_dim3A_245 = arith.constant 0.000000e+00 : f32
    %broadcast_in_dim3A_246 = vector.broadcast %broadcast_in_dim3A_245 : f32 to vector<16xf32>
    %swap3A_247 = arith.constant 272 : index
    %swap3A_248 = tpu.vector_load %arg7[%swap3A_247] {strides = array<i32>} : memref<640xf32, #tpu.memory_space<vmem>>, vector<16xf32>,
    %swap3A_249 = vector.shape_cast %swap3A_248 : vector<16xf32> to vector<16xf32>
    %swap3A_250 = vector.shape_cast %broadcast_in_dim3A_246 : vector<16xf32> to vector<16xf32>
    tpu.vector_store %arg7[%swap3A_247], %swap3A_250 {strides = array<i32>} : memref<640xf32, #tpu.memory_space<vmem>>, vector<16xf32>,
    %broadcast_in_dim3A_251 = arith.constant 0.000000e+00 : f32
    %broadcast_in_dim3A_252 = vector.broadcast %broadcast_in_dim3A_251 : f32 to vector<16xf32>
    %swap3A_253 = arith.constant 288 : index
    %swap3A_254 = tpu.vector_load %arg7[%swap3A_253] {strides = array<i32>} : memref<640xf32, #tpu.memory_space<vmem>>, vector<16xf32>,
    %swap3A_255 = vector.shape_cast %swap3A_254 : vector<16xf32> to vector<16xf32>
    %swap3A_256 = vector.shape_cast %broadcast_in_dim3A_252 : vector<16xf32> to vector<16xf32>
    tpu.vector_store %arg7[%swap3A_253], %swap3A_256 {strides = array<i32>} : memref<640xf32, #tpu.memory_space<vmem>>, vector<16xf32>,
    %broadcast_in_dim3A_257 = arith.constant 0.000000e+00 : f32
    %broadcast_in_dim3A_258 = vector.broadcast %broadcast_in_dim3A_257 : f32 to vector<16xf32>
    %swap3A_259 = arith.constant 304 : index
    %swap3A_260 = tpu.vector_load %arg7[%swap3A_259] {strides = array<i32>} : memref<640xf32, #tpu.memory_space<vmem>>, vector<16xf32>,
    %swap3A_261 = vector.shape_cast %swap3A_260 : vector<16xf32> to vector<16xf32>
    %swap3A_262 = vector.shape_cast %broadcast_in_dim3A_258 : vector<16xf32> to vector<16xf32>
    tpu.vector_store %arg7[%swap3A_259], %swap3A_262 {strides = array<i32>} : memref<640xf32, #tpu.memory_space<vmem>>, vector<16xf32>,
    %broadcast_in_dim3A_263 = arith.constant 0.000000e+00 : f32
    %broadcast_in_dim3A_264 = vector.broadcast %broadcast_in_dim3A_263 : f32 to vector<16xf32>
    %swap3A_265 = arith.constant 320 : index
    %swap3A_266 = tpu.vector_load %arg7[%swap3A_265] {strides = array<i32>} : memref<640xf32, #tpu.memory_space<vmem>>, vector<16xf32>,
    %swap3A_267 = vector.shape_cast %swap3A_266 : vector<16xf32> to vector<16xf32>
    %swap3A_268 = vector.shape_cast %broadcast_in_dim3A_264 : vector<16xf32> to vector<16xf32>
    tpu.vector_store %arg7[%swap3A_265], %swap3A_268 {strides = array<i32>} : memref<640xf32, #tpu.memory_space<vmem>>, vector<16xf32>,
    %broadcast_in_dim3A_269 = arith.constant 0.000000e+00 : f32
    %broadcast_in_dim3A_270 = vector.broadcast %broadcast_in_dim3A_269 : f32 to vector<16xf32>
    %swap3A_271 = arith.constant 336 : index
    %swap3A_272 = tpu.vector_load %arg7[%swap3A_271] {strides = array<i32>} : memref<640xf32, #tpu.memory_space<vmem>>, vector<16xf32>,
    %swap3A_273 = vector.shape_cast %swap3A_272 : vector<16xf32> to vector<16xf32>
    %swap3A_274 = vector.shape_cast %broadcast_in_dim3A_270 : vector<16xf32> to vector<16xf32>
    tpu.vector_store %arg7[%swap3A_271], %swap3A_274 {strides = array<i32>} : memref<640xf32, #tpu.memory_space<vmem>>, vector<16xf32>,
    %broadcast_in_dim3A_275 = arith.constant 0.000000e+00 : f32
    %broadcast_in_dim3A_276 = vector.broadcast %broadcast_in_dim3A_275 : f32 to vector<16xf32>
    %swap3A_277 = arith.constant 352 : index
    %swap3A_278 = tpu.vector_load %arg7[%swap3A_277] {strides = array<i32>} : memref<640xf32, #tpu.memory_space<vmem>>, vector<16xf32>,
    %swap3A_279 = vector.shape_cast %swap3A_278 : vector<16xf32> to vector<16xf32>
    %swap3A_280 = vector.shape_cast %broadcast_in_dim3A_276 : vector<16xf32> to vector<16xf32>
    tpu.vector_store %arg7[%swap3A_277], %swap3A_280 {strides = array<i32>} : memref<640xf32, #tpu.memory_space<vmem>>, vector<16xf32>,
    %broadcast_in_dim3A_281 = arith.constant 0.000000e+00 : f32
    %broadcast_in_dim3A_282 = vector.broadcast %broadcast_in_dim3A_281 : f32 to vector<16xf32>
    %swap3A_283 = arith.constant 368 : index
    %swap3A_284 = tpu.vector_load %arg7[%swap3A_283] {strides = array<i32>} : memref<640xf32, #tpu.memory_space<vmem>>, vector<16xf32>,
    %swap3A_285 = vector.shape_cast %swap3A_284 : vector<16xf32> to vector<16xf32>
    %swap3A_286 = vector.shape_cast %broadcast_in_dim3A_282 : vector<16xf32> to vector<16xf32>
    tpu.vector_store %arg7[%swap3A_283], %swap3A_286 {strides = array<i32>} : memref<640xf32, #tpu.memory_space<vmem>>, vector<16xf32>,
    %broadcast_in_dim3A_287 = arith.constant 0.000000e+00 : f32
    %broadcast_in_dim3A_288 = vector.broadcast %broadcast_in_dim3A_287 : f32 to vector<16xf32>
    %swap3A_289 = arith.constant 384 : index
    %swap3A_290 = tpu.vector_load %arg7[%swap3A_289] {strides = array<i32>} : memref<640xf32, #tpu.memory_space<vmem>>, vector<16xf32>,
    %swap3A_291 = vector.shape_cast %swap3A_290 : vector<16xf32> to vector<16xf32>
    %swap3A_292 = vector.shape_cast %broadcast_in_dim3A_288 : vector<16xf32> to vector<16xf32>
    tpu.vector_store %arg7[%swap3A_289], %swap3A_292 {strides = array<i32>} : memref<640xf32, #tpu.memory_space<vmem>>, vector<16xf32>,
    %broadcast_in_dim3A_293 = arith.constant 0.000000e+00 : f32
    %broadcast_in_dim3A_294 = vector.broadcast %broadcast_in_dim3A_293 : f32 to vector<16xf32>
    %swap3A_295 = arith.constant 400 : index
    %swap3A_296 = tpu.vector_load %arg7[%swap3A_295] {strides = array<i32>} : memref<640xf32, #tpu.memory_space<vmem>>, vector<16xf32>,
    %swap3A_297 = vector.shape_cast %swap3A_296 : vector<16xf32> to vector<16xf32>
    %swap3A_298 = vector.shape_cast %broadcast_in_dim3A_294 : vector<16xf32> to vector<16xf32>
    tpu.vector_store %arg7[%swap3A_295], %swap3A_298 {strides = array<i32>} : memref<640xf32, #tpu.memory_space<vmem>>, vector<16xf32>,
    %broadcast_in_dim3A_299 = arith.constant 0.000000e+00 : f32
    %broadcast_in_dim3A_300 = vector.broadcast %broadcast_in_dim3A_299 : f32 to vector<16xf32>
    %swap3A_301 = arith.constant 416 : index
    %swap3A_302 = tpu.vector_load %arg7[%swap3A_301] {strides = array<i32>} : memref<640xf32, #tpu.memory_space<vmem>>, vector<16xf32>,
    %swap3A_303 = vector.shape_cast %swap3A_302 : vector<16xf32> to vector<16xf32>
    %swap3A_304 = vector.shape_cast %broadcast_in_dim3A_300 : vector<16xf32> to vector<16xf32>
    tpu.vector_store %arg7[%swap3A_301], %swap3A_304 {strides = array<i32>} : memref<640xf32, #tpu.memory_space<vmem>>, vector<16xf32>,
    %broadcast_in_dim3A_305 = arith.constant 0.000000e+00 : f32
    %broadcast_in_dim3A_306 = vector.broadcast %broadcast_in_dim3A_305 : f32 to vector<16xf32>
    %swap3A_307 = arith.constant 432 : index
    %swap3A_308 = tpu.vector_load %arg7[%swap3A_307] {strides = array<i32>} : memref<640xf32, #tpu.memory_space<vmem>>, vector<16xf32>,
    %swap3A_309 = vector.shape_cast %swap3A_308 : vector<16xf32> to vector<16xf32>
    %swap3A_310 = vector.shape_cast %broadcast_in_dim3A_306 : vector<16xf32> to vector<16xf32>
    tpu.vector_store %arg7[%swap3A_307], %swap3A_310 {strides = array<i32>} : memref<640xf32, #tpu.memory_space<vmem>>, vector<16xf32>,
    %broadcast_in_dim3A_311 = arith.constant 0.000000e+00 : f32
    %broadcast_in_dim3A_312 = vector.broadcast %broadcast_in_dim3A_311 : f32 to vector<16xf32>
    %swap3A_313 = arith.constant 448 : index
    %swap3A_314 = tpu.vector_load %arg7[%swap3A_313] {strides = array<i32>} : memref<640xf32, #tpu.memory_space<vmem>>, vector<16xf32>,
    %swap3A_315 = vector.shape_cast %swap3A_314 : vector<16xf32> to vector<16xf32>
    %swap3A_316 = vector.shape_cast %broadcast_in_dim3A_312 : vector<16xf32> to vector<16xf32>
    tpu.vector_store %arg7[%swap3A_313], %swap3A_316 {strides = array<i32>} : memref<640xf32, #tpu.memory_space<vmem>>, vector<16xf32>,
    %broadcast_in_dim3A_317 = arith.constant 0.000000e+00 : f32
    %broadcast_in_dim3A_318 = vector.broadcast %broadcast_in_dim3A_317 : f32 to vector<16xf32>
    %swap3A_319 = arith.constant 464 : index
    %swap3A_320 = tpu.vector_load %arg7[%swap3A_319] {strides = array<i32>} : memref<640xf32, #tpu.memory_space<vmem>>, vector<16xf32>,
    %swap3A_321 = vector.shape_cast %swap3A_320 : vector<16xf32> to vector<16xf32>
    %swap3A_322 = vector.shape_cast %broadcast_in_dim3A_318 : vector<16xf32> to vector<16xf32>
    tpu.vector_store %arg7[%swap3A_319], %swap3A_322 {strides = array<i32>} : memref<640xf32, #tpu.memory_space<vmem>>, vector<16xf32>,
    %broadcast_in_dim3A_323 = arith.constant 0.000000e+00 : f32
    %broadcast_in_dim3A_324 = vector.broadcast %broadcast_in_dim3A_323 : f32 to vector<16xf32>
    %swap3A_325 = arith.constant 480 : index
    %swap3A_326 = tpu.vector_load %arg7[%swap3A_325] {strides = array<i32>} : memref<640xf32, #tpu.memory_space<vmem>>, vector<16xf32>,
    %swap3A_327 = vector.shape_cast %swap3A_326 : vector<16xf32> to vector<16xf32>
    %swap3A_328 = vector.shape_cast %broadcast_in_dim3A_324 : vector<16xf32> to vector<16xf32>
    tpu.vector_store %arg7[%swap3A_325], %swap3A_328 {strides = array<i32>} : memref<640xf32, #tpu.memory_space<vmem>>, vector<16xf32>,
    %broadcast_in_dim3A_329 = arith.constant 0.000000e+00 : f32
    %broadcast_in_dim3A_330 = vector.broadcast %broadcast_in_dim3A_329 : f32 to vector<16xf32>
    %swap3A_331 = arith.constant 496 : index
    %swap3A_332 = tpu.vector_load %arg7[%swap3A_331] {strides = array<i32>} : memref<640xf32, #tpu.memory_space<vmem>>, vector<16xf32>,
    %swap3A_333 = vector.shape_cast %swap3A_332 : vector<16xf32> to vector<16xf32>
    %swap3A_334 = vector.shape_cast %broadcast_in_dim3A_330 : vector<16xf32> to vector<16xf32>
    tpu.vector_store %arg7[%swap3A_331], %swap3A_334 {strides = array<i32>} : memref<640xf32, #tpu.memory_space<vmem>>, vector<16xf32>,
    %broadcast_in_dim3A_335 = arith.constant 0.000000e+00 : f32
    %broadcast_in_dim3A_336 = vector.broadcast %broadcast_in_dim3A_335 : f32 to vector<16xf32>
    %swap3A_337 = arith.constant 512 : index
    %swap3A_338 = tpu.vector_load %arg7[%swap3A_337] {strides = array<i32>} : memref<640xf32, #tpu.memory_space<vmem>>, vector<16xf32>,
    %swap3A_339 = vector.shape_cast %swap3A_338 : vector<16xf32> to vector<16xf32>
    %swap3A_340 = vector.shape_cast %broadcast_in_dim3A_336 : vector<16xf32> to vector<16xf32>
    tpu.vector_store %arg7[%swap3A_337], %swap3A_340 {strides = array<i32>} : memref<640xf32, #tpu.memory_space<vmem>>, vector<16xf32>,
    %broadcast_in_dim3A_341 = arith.constant 0.000000e+00 : f32
    %broadcast_in_dim3A_342 = vector.broadcast %broadcast_in_dim3A_341 : f32 to vector<16xf32>
    %swap3A_343 = arith.constant 528 : index
    %swap3A_344 = tpu.vector_load %arg7[%swap3A_343] {strides = array<i32>} : memref<640xf32, #tpu.memory_space<vmem>>, vector<16xf32>,
    %swap3A_345 = vector.shape_cast %swap3A_344 : vector<16xf32> to vector<16xf32>
    %swap3A_346 = vector.shape_cast %broadcast_in_dim3A_342 : vector<16xf32> to vector<16xf32>
    tpu.vector_store %arg7[%swap3A_343], %swap3A_346 {strides = array<i32>} : memref<640xf32, #tpu.memory_space<vmem>>, vector<16xf32>,
    %broadcast_in_dim3A_347 = arith.constant 0.000000e+00 : f32
    %broadcast_in_dim3A_348 = vector.broadcast %broadcast_in_dim3A_347 : f32 to vector<16xf32>
    %swap3A_349 = arith.constant 544 : index
    %swap3A_350 = tpu.vector_load %arg7[%swap3A_349] {strides = array<i32>} : memref<640xf32, #tpu.memory_space<vmem>>, vector<16xf32>,
    %swap3A_351 = vector.shape_cast %swap3A_350 : vector<16xf32> to vector<16xf32>
    %swap3A_352 = vector.shape_cast %broadcast_in_dim3A_348 : vector<16xf32> to vector<16xf32>
    tpu.vector_store %arg7[%swap3A_349], %swap3A_352 {strides = array<i32>} : memref<640xf32, #tpu.memory_space<vmem>>, vector<16xf32>,
    %broadcast_in_dim3A_353 = arith.constant 0.000000e+00 : f32
    %broadcast_in_dim3A_354 = vector.broadcast %broadcast_in_dim3A_353 : f32 to vector<16xf32>
    %swap3A_355 = arith.constant 560 : index
    %swap3A_356 = tpu.vector_load %arg7[%swap3A_355] {strides = array<i32>} : memref<640xf32, #tpu.memory_space<vmem>>, vector<16xf32>,
    %swap3A_357 = vector.shape_cast %swap3A_356 : vector<16xf32> to vector<16xf32>
    %swap3A_358 = vector.shape_cast %broadcast_in_dim3A_354 : vector<16xf32> to vector<16xf32>
    tpu.vector_store %arg7[%swap3A_355], %swap3A_358 {strides = array<i32>} : memref<640xf32, #tpu.memory_space<vmem>>, vector<16xf32>,
    %broadcast_in_dim3A_359 = arith.constant 0.000000e+00 : f32
    %broadcast_in_dim3A_360 = vector.broadcast %broadcast_in_dim3A_359 : f32 to vector<16xf32>
    %swap3A_361 = arith.constant 576 : index
    %swap3A_362 = tpu.vector_load %arg7[%swap3A_361] {strides = array<i32>} : memref<640xf32, #tpu.memory_space<vmem>>, vector<16xf32>,
    %swap3A_363 = vector.shape_cast %swap3A_362 : vector<16xf32> to vector<16xf32>
    %swap3A_364 = vector.shape_cast %broadcast_in_dim3A_360 : vector<16xf32> to vector<16xf32>
    tpu.vector_store %arg7[%swap3A_361], %swap3A_364 {strides = array<i32>} : memref<640xf32, #tpu.memory_space<vmem>>, vector<16xf32>,
    %broadcast_in_dim3A_365 = arith.constant 0.000000e+00 : f32
    %broadcast_in_dim3A_366 = vector.broadcast %broadcast_in_dim3A_365 : f32 to vector<16xf32>
    %swap3A_367 = arith.constant 592 : index
    %swap3A_368 = tpu.vector_load %arg7[%swap3A_367] {strides = array<i32>} : memref<640xf32, #tpu.memory_space<vmem>>, vector<16xf32>,
    %swap3A_369 = vector.shape_cast %swap3A_368 : vector<16xf32> to vector<16xf32>
    %swap3A_370 = vector.shape_cast %broadcast_in_dim3A_366 : vector<16xf32> to vector<16xf32>
    tpu.vector_store %arg7[%swap3A_367], %swap3A_370 {strides = array<i32>} : memref<640xf32, #tpu.memory_space<vmem>>, vector<16xf32>,
    %broadcast_in_dim3A_371 = arith.constant 0.000000e+00 : f32
    %broadcast_in_dim3A_372 = vector.broadcast %broadcast_in_dim3A_371 : f32 to vector<16xf32>
    %swap3A_373 = arith.constant 608 : index
    %swap3A_374 = tpu.vector_load %arg7[%swap3A_373] {strides = array<i32>} : memref<640xf32, #tpu.memory_space<vmem>>, vector<16xf32>,
    %swap3A_375 = vector.shape_cast %swap3A_374 : vector<16xf32> to vector<16xf32>
    %swap3A_376 = vector.shape_cast %broadcast_in_dim3A_372 : vector<16xf32> to vector<16xf32>
    tpu.vector_store %arg7[%swap3A_373], %swap3A_376 {strides = array<i32>} : memref<640xf32, #tpu.memory_space<vmem>>, vector<16xf32>,
    %broadcast_in_dim3A_377 = arith.constant 0.000000e+00 : f32
    %broadcast_in_dim3A_378 = vector.broadcast %broadcast_in_dim3A_377 : f32 to vector<16xf32>
    %swap3A_379 = arith.constant 624 : index
    %swap3A_380 = tpu.vector_load %arg7[%swap3A_379] {strides = array<i32>} : memref<640xf32, #tpu.memory_space<vmem>>, vector<16xf32>,
    %swap3A_381 = vector.shape_cast %swap3A_380 : vector<16xf32> to vector<16xf32>
    %swap3A_382 = vector.shape_cast %broadcast_in_dim3A_378 : vector<16xf32> to vector<16xf32>
    tpu.vector_store %arg7[%swap3A_379], %swap3A_382 {strides = array<i32>} : memref<640xf32, #tpu.memory_space<vmem>>, vector<16xf32>,
    %mul3A_383 = arith.constant 640 : i32
    %mul3A_384 = arith.muli %arg1, %mul3A_383 : i32
    "tpu.region"() ({
      %run_scoped3A = tpu.sem_alloc : memref<!tpu.dma_semaphore, #tpu.memory_space<semaphore_mem>>
      %dma_start3A_409 = tpu.memref_slice %arg8[%mul3A_384] : memref<10240xf32, #tpu.memory_space<vmem_shared>> -> memref<640xf32, #tpu.memory_space<vmem_shared>>
      %dma_start3A_410 = tpu.memref_slice %arg8[%mul3A_384] : memref<10240xf32, #tpu.memory_space<vmem_shared>> -> memref<640xf32, #tpu.memory_space<vmem_shared>>
      tpu.enqueue_dma source(%arg7 : memref<640xf32, #tpu.memory_space<vmem>>) target(%dma_start3A_410 : memref<640xf32, #tpu.memory_space<vmem_shared>>) target_semaphore(%run_scoped3A : memref<!tpu.dma_semaphore, #tpu.memory_space<semaphore_mem>>)
      %dma_wait3A_411 = tpu.memref_slice %arg8[%mul3A_384] : memref<10240xf32, #tpu.memory_space<vmem_shared>> -> memref<640xf32, #tpu.memory_space<vmem_shared>>
      %dma_wait3A_412 = tpu.memref_slice %arg8[%mul3A_384] : memref<10240xf32, #tpu.memory_space<vmem_shared>> -> memref<640xf32, #tpu.memory_space<vmem_shared>>
      tpu.wait_dma2 semaphore(%run_scoped3A : memref<!tpu.dma_semaphore, #tpu.memory_space<semaphore_mem>>) src(%arg7 : memref<640xf32, #tpu.memory_space<vmem>>) dst(%dma_wait3A_412 : memref<640xf32, #tpu.memory_space<vmem_shared>>)
      tpu.yield
    }) : () -> ()
    %barrier3A = arith.constant 0 : index
    tpu.barrier barrier_id(%barrier3A)
    %dma_start3A = arith.constant 0 : i32
    %dma_start3A_385 = tpu.memref_slice %arg8[%dma_start3A] : memref<10240xf32, #tpu.memory_space<vmem_shared>> -> memref<10240xf32, #tpu.memory_space<vmem_shared>>
    tpu.enqueue_indirect_dma source(%arg6 : memref<128xf32, #tpu.memory_space<vmem>>) target(%dma_start3A_385 : memref<10240xf32, #tpu.memory_space<vmem_shared>>) offsets(%arg4 : memref<128xi32, #tpu.memory_space<vmem>>) semaphore(%arg9 : memref<!tpu.dma_semaphore, #tpu.memory_space<semaphore_mem>>) {add = true}
    %dma_start3A_386 = arith.constant 0 : i32
    %dma_start3A_387 = tpu.memref_slice %arg8[%dma_start3A_386] : memref<10240xf32, #tpu.memory_space<vmem_shared>> -> memref<10240xf32, #tpu.memory_space<vmem_shared>>
    tpu.enqueue_indirect_dma source(%arg6 : memref<128xf32, #tpu.memory_space<vmem>>) target(%dma_start3A_387 : memref<10240xf32, #tpu.memory_space<vmem_shared>>) offsets(%arg5 : memref<128xi32, #tpu.memory_space<vmem>>) semaphore(%arg10 : memref<!tpu.dma_semaphore, #tpu.memory_space<semaphore_mem>>) {add = true}
    %scan3A = arith.constant 0 : i32
    %scan3A_388 = arith.constant 0 : i32
    %scan3A_389 = arith.constant 39 : i32
    %scan3A_390 = arith.addi %scan3A_388, %scan3A_389 : i32
    %scan3A_391 = arith.constant 1 : i32
    scf.for %scan3A_409 = %scan3A_388 to %scan3A_390 step %scan3A_391  : i32 {
      %mul3A_410 = arith.constant 2 : i32
      %mul3A_411 = arith.muli %mul3A_410, %scan3A_409 : i32
      %mul3A_412 = arith.constant 10112 : i32
      %mul3A_413 = arith.muli %add3A, %mul3A_412 : i32
      %mul3A_414 = arith.constant 128 : i32
      %mul3A_415 = arith.muli %mul3A_411, %mul3A_414 : i32
      %add3A_416 = arith.addi %mul3A_413, %mul3A_415 : i32
      %dma_wait3A_417 = arith.constant 0 : i32
      %dma_wait3A_418 = tpu.memref_slice %arg8[%dma_wait3A_417] : memref<10240xf32, #tpu.memory_space<vmem_shared>> -> memref<10240xf32, #tpu.memory_space<vmem_shared>>
      tpu.wait_indirect_dma semaphore(%arg9 : memref<!tpu.dma_semaphore, #tpu.memory_space<semaphore_mem>>) src(%arg6 : memref<128xf32, #tpu.memory_space<vmem>>) dst(%dma_wait3A_418 : memref<10240xf32, #tpu.memory_space<vmem_shared>>)
      "tpu.region"() ({
        %run_scoped3A = tpu.sem_alloc : memref<!tpu.dma_semaphore, #tpu.memory_space<semaphore_mem>>
        %dma_start3A_434 = tpu.memref_slice %arg2[%add3A_416] : memref<323584xi32, #tpu.memory_space<hbm>> -> memref<128xi32, #tpu.memory_space<hbm>>
        %dma_start3A_435 = tpu.memref_slice %arg2[%add3A_416] : memref<323584xi32, #tpu.memory_space<hbm>> -> memref<128xi32, #tpu.memory_space<hbm>>
        tpu.enqueue_dma source(%dma_start3A_435 : memref<128xi32, #tpu.memory_space<hbm>>) target(%arg4 : memref<128xi32, #tpu.memory_space<vmem>>) target_semaphore(%run_scoped3A : memref<!tpu.dma_semaphore, #tpu.memory_space<semaphore_mem>>)
        %dma_wait3A_436 = tpu.memref_slice %arg2[%add3A_416] : memref<323584xi32, #tpu.memory_space<hbm>> -> memref<128xi32, #tpu.memory_space<hbm>>
        %dma_wait3A_437 = tpu.memref_slice %arg2[%add3A_416] : memref<323584xi32, #tpu.memory_space<hbm>> -> memref<128xi32, #tpu.memory_space<hbm>>
        tpu.wait_dma2 semaphore(%run_scoped3A : memref<!tpu.dma_semaphore, #tpu.memory_space<semaphore_mem>>) src(%dma_wait3A_437 : memref<128xi32, #tpu.memory_space<hbm>>) dst(%arg4 : memref<128xi32, #tpu.memory_space<vmem>>)
        tpu.yield
      }) : () -> ()
      %dma_start3A_419 = arith.constant 0 : i32
      %dma_start3A_420 = tpu.memref_slice %arg8[%dma_start3A_419] : memref<10240xf32, #tpu.memory_space<vmem_shared>> -> memref<10240xf32, #tpu.memory_space<vmem_shared>>
      tpu.enqueue_indirect_dma source(%arg6 : memref<128xf32, #tpu.memory_space<vmem>>) target(%dma_start3A_420 : memref<10240xf32, #tpu.memory_space<vmem_shared>>) offsets(%arg4 : memref<128xi32, #tpu.memory_space<vmem>>) semaphore(%arg9 : memref<!tpu.dma_semaphore, #tpu.memory_space<semaphore_mem>>) {add = true}
      %mul3A_421 = arith.constant 2 : i32
      %mul3A_422 = arith.muli %mul3A_421, %scan3A_409 : i32
      %add3A_423 = arith.constant 1 : i32
      %add3A_424 = arith.addi %mul3A_422, %add3A_423 : i32
      %mul3A_425 = arith.constant 10112 : i32
      %mul3A_426 = arith.muli %add3A, %mul3A_425 : i32
      %mul3A_427 = arith.constant 128 : i32
      %mul3A_428 = arith.muli %add3A_424, %mul3A_427 : i32
      %add3A_429 = arith.addi %mul3A_426, %mul3A_428 : i32
      %dma_wait3A_430 = arith.constant 0 : i32
      %dma_wait3A_431 = tpu.memref_slice %arg8[%dma_wait3A_430] : memref<10240xf32, #tpu.memory_space<vmem_shared>> -> memref<10240xf32, #tpu.memory_space<vmem_shared>>
      tpu.wait_indirect_dma semaphore(%arg10 : memref<!tpu.dma_semaphore, #tpu.memory_space<semaphore_mem>>) src(%arg6 : memref<128xf32, #tpu.memory_space<vmem>>) dst(%dma_wait3A_431 : memref<10240xf32, #tpu.memory_space<vmem_shared>>)
      "tpu.region"() ({
        %run_scoped3A = tpu.sem_alloc : memref<!tpu.dma_semaphore, #tpu.memory_space<semaphore_mem>>
        %dma_start3A_434 = tpu.memref_slice %arg2[%add3A_429] : memref<323584xi32, #tpu.memory_space<hbm>> -> memref<128xi32, #tpu.memory_space<hbm>>
        %dma_start3A_435 = tpu.memref_slice %arg2[%add3A_429] : memref<323584xi32, #tpu.memory_space<hbm>> -> memref<128xi32, #tpu.memory_space<hbm>>
        tpu.enqueue_dma source(%dma_start3A_435 : memref<128xi32, #tpu.memory_space<hbm>>) target(%arg5 : memref<128xi32, #tpu.memory_space<vmem>>) target_semaphore(%run_scoped3A : memref<!tpu.dma_semaphore, #tpu.memory_space<semaphore_mem>>)
        %dma_wait3A_436 = tpu.memref_slice %arg2[%add3A_429] : memref<323584xi32, #tpu.memory_space<hbm>> -> memref<128xi32, #tpu.memory_space<hbm>>
        %dma_wait3A_437 = tpu.memref_slice %arg2[%add3A_429] : memref<323584xi32, #tpu.memory_space<hbm>> -> memref<128xi32, #tpu.memory_space<hbm>>
        tpu.wait_dma2 semaphore(%run_scoped3A : memref<!tpu.dma_semaphore, #tpu.memory_space<semaphore_mem>>) src(%dma_wait3A_437 : memref<128xi32, #tpu.memory_space<hbm>>) dst(%arg5 : memref<128xi32, #tpu.memory_space<vmem>>)
        tpu.yield
      }) : () -> ()
      %dma_start3A_432 = arith.constant 0 : i32
      %dma_start3A_433 = tpu.memref_slice %arg8[%dma_start3A_432] : memref<10240xf32, #tpu.memory_space<vmem_shared>> -> memref<10240xf32, #tpu.memory_space<vmem_shared>>
      tpu.enqueue_indirect_dma source(%arg6 : memref<128xf32, #tpu.memory_space<vmem>>) target(%dma_start3A_433 : memref<10240xf32, #tpu.memory_space<vmem_shared>>) offsets(%arg5 : memref<128xi32, #tpu.memory_space<vmem>>) semaphore(%arg10 : memref<!tpu.dma_semaphore, #tpu.memory_space<semaphore_mem>>) {add = true}
    }
    %scan3A_392 = arith.constant 39 : i32
    %mul3A_393 = arith.constant 10112 : i32
    %mul3A_394 = arith.muli %add3A, %mul3A_393 : i32
    %add3A_395 = arith.constant 9984 : i32
    %add3A_396 = arith.addi %mul3A_394, %add3A_395 : i32
    %dma_wait3A = arith.constant 0 : i32
    %dma_wait3A_397 = tpu.memref_slice %arg8[%dma_wait3A] : memref<10240xf32, #tpu.memory_space<vmem_shared>> -> memref<10240xf32, #tpu.memory_space<vmem_shared>>
    tpu.wait_indirect_dma semaphore(%arg9 : memref<!tpu.dma_semaphore, #tpu.memory_space<semaphore_mem>>) src(%arg6 : memref<128xf32, #tpu.memory_space<vmem>>) dst(%dma_wait3A_397 : memref<10240xf32, #tpu.memory_space<vmem_shared>>)
    "tpu.region"() ({
      %run_scoped3A = tpu.sem_alloc : memref<!tpu.dma_semaphore, #tpu.memory_space<semaphore_mem>>
      %dma_start3A_409 = tpu.memref_slice %arg2[%add3A_396] : memref<323584xi32, #tpu.memory_space<hbm>> -> memref<128xi32, #tpu.memory_space<hbm>>
      %dma_start3A_410 = tpu.memref_slice %arg2[%add3A_396] : memref<323584xi32, #tpu.memory_space<hbm>> -> memref<128xi32, #tpu.memory_space<hbm>>
      tpu.enqueue_dma source(%dma_start3A_410 : memref<128xi32, #tpu.memory_space<hbm>>) target(%arg4 : memref<128xi32, #tpu.memory_space<vmem>>) target_semaphore(%run_scoped3A : memref<!tpu.dma_semaphore, #tpu.memory_space<semaphore_mem>>)
      %dma_wait3A_411 = tpu.memref_slice %arg2[%add3A_396] : memref<323584xi32, #tpu.memory_space<hbm>> -> memref<128xi32, #tpu.memory_space<hbm>>
      %dma_wait3A_412 = tpu.memref_slice %arg2[%add3A_396] : memref<323584xi32, #tpu.memory_space<hbm>> -> memref<128xi32, #tpu.memory_space<hbm>>
      tpu.wait_dma2 semaphore(%run_scoped3A : memref<!tpu.dma_semaphore, #tpu.memory_space<semaphore_mem>>) src(%dma_wait3A_412 : memref<128xi32, #tpu.memory_space<hbm>>) dst(%arg4 : memref<128xi32, #tpu.memory_space<vmem>>)
      tpu.yield
    }) : () -> ()
    %dma_start3A_398 = arith.constant 0 : i32
    %dma_start3A_399 = tpu.memref_slice %arg8[%dma_start3A_398] : memref<10240xf32, #tpu.memory_space<vmem_shared>> -> memref<10240xf32, #tpu.memory_space<vmem_shared>>
    tpu.enqueue_indirect_dma source(%arg6 : memref<128xf32, #tpu.memory_space<vmem>>) target(%dma_start3A_399 : memref<10240xf32, #tpu.memory_space<vmem_shared>>) offsets(%arg4 : memref<128xi32, #tpu.memory_space<vmem>>) semaphore(%arg9 : memref<!tpu.dma_semaphore, #tpu.memory_space<semaphore_mem>>) {add = true}
    %dma_wait3A_400 = arith.constant 0 : i32
    %dma_wait3A_401 = tpu.memref_slice %arg8[%dma_wait3A_400] : memref<10240xf32, #tpu.memory_space<vmem_shared>> -> memref<10240xf32, #tpu.memory_space<vmem_shared>>
    tpu.wait_indirect_dma semaphore(%arg9 : memref<!tpu.dma_semaphore, #tpu.memory_space<semaphore_mem>>) src(%arg6 : memref<128xf32, #tpu.memory_space<vmem>>) dst(%dma_wait3A_401 : memref<10240xf32, #tpu.memory_space<vmem_shared>>)
    %dma_wait3A_402 = arith.constant 0 : i32
    %dma_wait3A_403 = tpu.memref_slice %arg8[%dma_wait3A_402] : memref<10240xf32, #tpu.memory_space<vmem_shared>> -> memref<10240xf32, #tpu.memory_space<vmem_shared>>
    tpu.wait_indirect_dma semaphore(%arg10 : memref<!tpu.dma_semaphore, #tpu.memory_space<semaphore_mem>>) src(%arg6 : memref<128xf32, #tpu.memory_space<vmem>>) dst(%dma_wait3A_403 : memref<10240xf32, #tpu.memory_space<vmem_shared>>)
    %barrier3A_404 = arith.constant 0 : index
    tpu.barrier barrier_id(%barrier3A_404)
    %mul3A_405 = arith.constant 640 : i32
    %mul3A_406 = arith.muli %arg1, %mul3A_405 : i32
    %mul3A_407 = arith.constant 640 : i32
    %mul3A_408 = arith.muli %arg1, %mul3A_407 : i32
    "tpu.region"() ({
      %run_scoped3A = tpu.sem_alloc : memref<!tpu.dma_semaphore, #tpu.memory_space<semaphore_mem>>
      %dma_start3A_409 = tpu.memref_slice %arg3[%arg0, %mul3A_408] : memref<2x10240xf32, #tpu.memory_space<hbm>> -> memref<1x640xf32, #tpu.memory_space<hbm>>
      %dma_start3A_410 = tpu.memref_squeeze %dma_start3A_409 : memref<1x640xf32, #tpu.memory_space<hbm>> -> memref<640xf32, #tpu.memory_space<hbm>>
      %dma_start3A_411 = tpu.memref_slice %arg8[%mul3A_406] : memref<10240xf32, #tpu.memory_space<vmem_shared>> -> memref<640xf32, #tpu.memory_space<vmem_shared>>
      tpu.enqueue_dma source(%dma_start3A_411 : memref<640xf32, #tpu.memory_space<vmem_shared>>) target(%dma_start3A_410 : memref<640xf32, #tpu.memory_space<hbm>>) target_semaphore(%run_scoped3A : memref<!tpu.dma_semaphore, #tpu.memory_space<semaphore_mem>>)
      %dma_wait3A_412 = tpu.memref_slice %arg3[%arg0, %mul3A_408] : memref<2x10240xf32, #tpu.memory_space<hbm>> -> memref<1x640xf32, #tpu.memory_space<hbm>>
      %dma_wait3A_413 = tpu.memref_squeeze %dma_wait3A_412 : memref<1x640xf32, #tpu.memory_space<hbm>> -> memref<640xf32, #tpu.memory_space<hbm>>
      %dma_wait3A_414 = tpu.memref_slice %arg8[%mul3A_406] : memref<10240xf32, #tpu.memory_space<vmem_shared>> -> memref<640xf32, #tpu.memory_space<vmem_shared>>
      tpu.wait_dma2 semaphore(%run_scoped3A : memref<!tpu.dma_semaphore, #tpu.memory_space<semaphore_mem>>) src(%dma_wait3A_414 : memref<640xf32, #tpu.memory_space<vmem_shared>>) dst(%dma_wait3A_413 : memref<640xf32, #tpu.memory_space<hbm>>)
      tpu.yield
    }) : () -> ()
    return
  }
}

#map = affine_map<(d0, d1) -> (0)>
#map1 = affine_map<(d0, d1) -> (0, 0)>
#map2 = affine_map<(d0, d1) -> (0, 0, 0)>
module attributes {stable_mosaic.version = 14 : i64} {
  func.func @_agg_kernel(%arg0: i32, %arg1: i32, %arg2: memref<323584xi32, #tpu.memory_space<hbm>>, %arg3: memref<323584xi32, #tpu.memory_space<hbm>>, %arg4: memref<10240x128xf32, #tpu.memory_space<hbm>>, %arg5: memref<2x10240x128xf32, #tpu.memory_space<hbm>>, %arg6: memref<128xi32, #tpu.memory_space<vmem>>, %arg7: memref<128xi32, #tpu.memory_space<vmem>>, %arg8: memref<128xi32, #tpu.memory_space<vmem>>, %arg9: memref<128xi32, #tpu.memory_space<vmem>>, %arg10: memref<128x128xf32, #tpu.memory_space<vmem>>, %arg11: memref<128x128xf32, #tpu.memory_space<vmem>>, %arg12: memref<10240x128xf32, #tpu.memory_space<vmem_shared>>, %arg13: memref<!tpu.dma_semaphore, #tpu.memory_space<semaphore_mem>>, %arg14: memref<!tpu.dma_semaphore, #tpu.memory_space<semaphore_mem>>, %arg15: memref<!tpu.dma_semaphore, #tpu.memory_space<semaphore_mem>>) attributes {dimension_semantics = [#tpu.dimension_semantics<core_parallel>, #tpu.dimension_semantics<subcore_parallel>], iteration_bounds = array<i64: 2, 16>, scalar_prefetch = 0 : i64, scratch_operands = 10 : i64, tpu.core_type = #tpu.core_type<sc_vector_subcore>, window_params = [{transform_indices = #map}, {transform_indices = #map}, {transform_indices = #map1}, {transform_indices = #map2}]} {
    %mul3A = arith.constant 16 : i32
    %mul3A_0 = arith.muli %arg0, %mul3A : i32
    %add3A = arith.addi %mul3A_0, %arg1 : i32
    %scan3A = arith.constant 0 : i32
    %scan3A_1 = arith.constant 0 : i32
    %scan3A_2 = arith.constant 128 : i32
    %scan3A_3 = arith.addi %scan3A_1, %scan3A_2 : i32
    %scan3A_4 = arith.constant 1 : i32
    scf.for %scan3A_157 = %scan3A_1 to %scan3A_3 step %scan3A_4  : i32 {
      %broadcast_in_dim3A_158 = arith.constant 0.000000e+00 : f32
      %broadcast_in_dim3A_159 = vector.broadcast %broadcast_in_dim3A_158 : f32 to vector<16xf32>
      %swap3A_160 = arith.index_cast %scan3A_157 : i32 to index
      %swap3A_161 = arith.constant 0 : index
      %swap3A_162 = tpu.vector_load %arg10[%swap3A_160, %swap3A_161] {strides = array<i32>} : memref<128x128xf32, #tpu.memory_space<vmem>>, vector<1x16xf32>,
      %swap3A_163 = vector.shape_cast %swap3A_162 : vector<1x16xf32> to vector<16xf32>
      %swap3A_164 = vector.shape_cast %broadcast_in_dim3A_159 : vector<16xf32> to vector<1x16xf32>
      tpu.vector_store %arg10[%swap3A_160, %swap3A_161], %swap3A_164 {strides = array<i32>} : memref<128x128xf32, #tpu.memory_space<vmem>>, vector<1x16xf32>,
      %broadcast_in_dim3A_165 = arith.constant 0.000000e+00 : f32
      %broadcast_in_dim3A_166 = vector.broadcast %broadcast_in_dim3A_165 : f32 to vector<16xf32>
      %swap3A_167 = arith.index_cast %scan3A_157 : i32 to index
      %swap3A_168 = arith.constant 16 : index
      %swap3A_169 = tpu.vector_load %arg10[%swap3A_167, %swap3A_168] {strides = array<i32>} : memref<128x128xf32, #tpu.memory_space<vmem>>, vector<1x16xf32>,
      %swap3A_170 = vector.shape_cast %swap3A_169 : vector<1x16xf32> to vector<16xf32>
      %swap3A_171 = vector.shape_cast %broadcast_in_dim3A_166 : vector<16xf32> to vector<1x16xf32>
      tpu.vector_store %arg10[%swap3A_167, %swap3A_168], %swap3A_171 {strides = array<i32>} : memref<128x128xf32, #tpu.memory_space<vmem>>, vector<1x16xf32>,
      %broadcast_in_dim3A_172 = arith.constant 0.000000e+00 : f32
      %broadcast_in_dim3A_173 = vector.broadcast %broadcast_in_dim3A_172 : f32 to vector<16xf32>
      %swap3A_174 = arith.index_cast %scan3A_157 : i32 to index
      %swap3A_175 = arith.constant 32 : index
      %swap3A_176 = tpu.vector_load %arg10[%swap3A_174, %swap3A_175] {strides = array<i32>} : memref<128x128xf32, #tpu.memory_space<vmem>>, vector<1x16xf32>,
      %swap3A_177 = vector.shape_cast %swap3A_176 : vector<1x16xf32> to vector<16xf32>
      %swap3A_178 = vector.shape_cast %broadcast_in_dim3A_173 : vector<16xf32> to vector<1x16xf32>
      tpu.vector_store %arg10[%swap3A_174, %swap3A_175], %swap3A_178 {strides = array<i32>} : memref<128x128xf32, #tpu.memory_space<vmem>>, vector<1x16xf32>,
      %broadcast_in_dim3A_179 = arith.constant 0.000000e+00 : f32
      %broadcast_in_dim3A_180 = vector.broadcast %broadcast_in_dim3A_179 : f32 to vector<16xf32>
      %swap3A_181 = arith.index_cast %scan3A_157 : i32 to index
      %swap3A_182 = arith.constant 48 : index
      %swap3A_183 = tpu.vector_load %arg10[%swap3A_181, %swap3A_182] {strides = array<i32>} : memref<128x128xf32, #tpu.memory_space<vmem>>, vector<1x16xf32>,
      %swap3A_184 = vector.shape_cast %swap3A_183 : vector<1x16xf32> to vector<16xf32>
      %swap3A_185 = vector.shape_cast %broadcast_in_dim3A_180 : vector<16xf32> to vector<1x16xf32>
      tpu.vector_store %arg10[%swap3A_181, %swap3A_182], %swap3A_185 {strides = array<i32>} : memref<128x128xf32, #tpu.memory_space<vmem>>, vector<1x16xf32>,
      %broadcast_in_dim3A_186 = arith.constant 0.000000e+00 : f32
      %broadcast_in_dim3A_187 = vector.broadcast %broadcast_in_dim3A_186 : f32 to vector<16xf32>
      %swap3A_188 = arith.index_cast %scan3A_157 : i32 to index
      %swap3A_189 = arith.constant 64 : index
      %swap3A_190 = tpu.vector_load %arg10[%swap3A_188, %swap3A_189] {strides = array<i32>} : memref<128x128xf32, #tpu.memory_space<vmem>>, vector<1x16xf32>,
      %swap3A_191 = vector.shape_cast %swap3A_190 : vector<1x16xf32> to vector<16xf32>
      %swap3A_192 = vector.shape_cast %broadcast_in_dim3A_187 : vector<16xf32> to vector<1x16xf32>
      tpu.vector_store %arg10[%swap3A_188, %swap3A_189], %swap3A_192 {strides = array<i32>} : memref<128x128xf32, #tpu.memory_space<vmem>>, vector<1x16xf32>,
      %broadcast_in_dim3A_193 = arith.constant 0.000000e+00 : f32
      %broadcast_in_dim3A_194 = vector.broadcast %broadcast_in_dim3A_193 : f32 to vector<16xf32>
      %swap3A_195 = arith.index_cast %scan3A_157 : i32 to index
      %swap3A_196 = arith.constant 80 : index
      %swap3A_197 = tpu.vector_load %arg10[%swap3A_195, %swap3A_196] {strides = array<i32>} : memref<128x128xf32, #tpu.memory_space<vmem>>, vector<1x16xf32>,
      %swap3A_198 = vector.shape_cast %swap3A_197 : vector<1x16xf32> to vector<16xf32>
      %swap3A_199 = vector.shape_cast %broadcast_in_dim3A_194 : vector<16xf32> to vector<1x16xf32>
      tpu.vector_store %arg10[%swap3A_195, %swap3A_196], %swap3A_199 {strides = array<i32>} : memref<128x128xf32, #tpu.memory_space<vmem>>, vector<1x16xf32>,
      %broadcast_in_dim3A_200 = arith.constant 0.000000e+00 : f32
      %broadcast_in_dim3A_201 = vector.broadcast %broadcast_in_dim3A_200 : f32 to vector<16xf32>
      %swap3A_202 = arith.index_cast %scan3A_157 : i32 to index
      %swap3A_203 = arith.constant 96 : index
      %swap3A_204 = tpu.vector_load %arg10[%swap3A_202, %swap3A_203] {strides = array<i32>} : memref<128x128xf32, #tpu.memory_space<vmem>>, vector<1x16xf32>,
      %swap3A_205 = vector.shape_cast %swap3A_204 : vector<1x16xf32> to vector<16xf32>
      %swap3A_206 = vector.shape_cast %broadcast_in_dim3A_201 : vector<16xf32> to vector<1x16xf32>
      tpu.vector_store %arg10[%swap3A_202, %swap3A_203], %swap3A_206 {strides = array<i32>} : memref<128x128xf32, #tpu.memory_space<vmem>>, vector<1x16xf32>,
      %broadcast_in_dim3A_207 = arith.constant 0.000000e+00 : f32
      %broadcast_in_dim3A_208 = vector.broadcast %broadcast_in_dim3A_207 : f32 to vector<16xf32>
      %swap3A_209 = arith.index_cast %scan3A_157 : i32 to index
      %swap3A_210 = arith.constant 112 : index
      %swap3A_211 = tpu.vector_load %arg10[%swap3A_209, %swap3A_210] {strides = array<i32>} : memref<128x128xf32, #tpu.memory_space<vmem>>, vector<1x16xf32>,
      %swap3A_212 = vector.shape_cast %swap3A_211 : vector<1x16xf32> to vector<16xf32>
      %swap3A_213 = vector.shape_cast %broadcast_in_dim3A_208 : vector<16xf32> to vector<1x16xf32>
      tpu.vector_store %arg10[%swap3A_209, %swap3A_210], %swap3A_213 {strides = array<i32>} : memref<128x128xf32, #tpu.memory_space<vmem>>, vector<1x16xf32>,
    }
    %scan3A_5 = arith.constant 128 : i32
    %mul3A_6 = arith.constant 640 : i32
    %mul3A_7 = arith.muli %arg1, %mul3A_6 : i32
    %add3A_8 = arith.constant 0 : i32
    %add3A_9 = arith.addi %mul3A_7, %add3A_8 : i32
    "tpu.region"() ({
      %run_scoped3A = tpu.sem_alloc : memref<!tpu.dma_semaphore, #tpu.memory_space<semaphore_mem>>
      %dma_start3A_157 = arith.constant 0 : i32
      %dma_start3A_158 = tpu.memref_slice %arg12[%add3A_9, %dma_start3A_157] : memref<10240x128xf32, #tpu.memory_space<vmem_shared>> -> memref<128x128xf32, #tpu.memory_space<vmem_shared>>
      %dma_start3A_159 = arith.constant 0 : i32
      %dma_start3A_160 = tpu.memref_slice %arg12[%add3A_9, %dma_start3A_159] : memref<10240x128xf32, #tpu.memory_space<vmem_shared>> -> memref<128x128xf32, #tpu.memory_space<vmem_shared>>
      tpu.enqueue_dma source(%arg10 : memref<128x128xf32, #tpu.memory_space<vmem>>) target(%dma_start3A_160 : memref<128x128xf32, #tpu.memory_space<vmem_shared>>) target_semaphore(%run_scoped3A : memref<!tpu.dma_semaphore, #tpu.memory_space<semaphore_mem>>)
      %dma_wait3A_161 = arith.constant 0 : i32
      %dma_wait3A_162 = tpu.memref_slice %arg12[%add3A_9, %dma_wait3A_161] : memref<10240x128xf32, #tpu.memory_space<vmem_shared>> -> memref<128x128xf32, #tpu.memory_space<vmem_shared>>
      %dma_wait3A_163 = arith.constant 0 : i32
      %dma_wait3A_164 = tpu.memref_slice %arg12[%add3A_9, %dma_wait3A_163] : memref<10240x128xf32, #tpu.memory_space<vmem_shared>> -> memref<128x128xf32, #tpu.memory_space<vmem_shared>>
      tpu.wait_dma2 semaphore(%run_scoped3A : memref<!tpu.dma_semaphore, #tpu.memory_space<semaphore_mem>>) src(%arg10 : memref<128x128xf32, #tpu.memory_space<vmem>>) dst(%dma_wait3A_164 : memref<128x128xf32, #tpu.memory_space<vmem_shared>>)
      tpu.yield
    }) : () -> ()
    %mul3A_10 = arith.constant 640 : i32
    %mul3A_11 = arith.muli %arg1, %mul3A_10 : i32
    %add3A_12 = arith.constant 128 : i32
    %add3A_13 = arith.addi %mul3A_11, %add3A_12 : i32
    "tpu.region"() ({
      %run_scoped3A = tpu.sem_alloc : memref<!tpu.dma_semaphore, #tpu.memory_space<semaphore_mem>>
      %dma_start3A_157 = arith.constant 0 : i32
      %dma_start3A_158 = tpu.memref_slice %arg12[%add3A_13, %dma_start3A_157] : memref<10240x128xf32, #tpu.memory_space<vmem_shared>> -> memref<128x128xf32, #tpu.memory_space<vmem_shared>>
      %dma_start3A_159 = arith.constant 0 : i32
      %dma_start3A_160 = tpu.memref_slice %arg12[%add3A_13, %dma_start3A_159] : memref<10240x128xf32, #tpu.memory_space<vmem_shared>> -> memref<128x128xf32, #tpu.memory_space<vmem_shared>>
      tpu.enqueue_dma source(%arg10 : memref<128x128xf32, #tpu.memory_space<vmem>>) target(%dma_start3A_160 : memref<128x128xf32, #tpu.memory_space<vmem_shared>>) target_semaphore(%run_scoped3A : memref<!tpu.dma_semaphore, #tpu.memory_space<semaphore_mem>>)
      %dma_wait3A_161 = arith.constant 0 : i32
      %dma_wait3A_162 = tpu.memref_slice %arg12[%add3A_13, %dma_wait3A_161] : memref<10240x128xf32, #tpu.memory_space<vmem_shared>> -> memref<128x128xf32, #tpu.memory_space<vmem_shared>>
      %dma_wait3A_163 = arith.constant 0 : i32
      %dma_wait3A_164 = tpu.memref_slice %arg12[%add3A_13, %dma_wait3A_163] : memref<10240x128xf32, #tpu.memory_space<vmem_shared>> -> memref<128x128xf32, #tpu.memory_space<vmem_shared>>
      tpu.wait_dma2 semaphore(%run_scoped3A : memref<!tpu.dma_semaphore, #tpu.memory_space<semaphore_mem>>) src(%arg10 : memref<128x128xf32, #tpu.memory_space<vmem>>) dst(%dma_wait3A_164 : memref<128x128xf32, #tpu.memory_space<vmem_shared>>)
      tpu.yield
    }) : () -> ()
    %mul3A_14 = arith.constant 640 : i32
    %mul3A_15 = arith.muli %arg1, %mul3A_14 : i32
    %add3A_16 = arith.constant 256 : i32
    %add3A_17 = arith.addi %mul3A_15, %add3A_16 : i32
    "tpu.region"() ({
      %run_scoped3A = tpu.sem_alloc : memref<!tpu.dma_semaphore, #tpu.memory_space<semaphore_mem>>
      %dma_start3A_157 = arith.constant 0 : i32
      %dma_start3A_158 = tpu.memref_slice %arg12[%add3A_17, %dma_start3A_157] : memref<10240x128xf32, #tpu.memory_space<vmem_shared>> -> memref<128x128xf32, #tpu.memory_space<vmem_shared>>
      %dma_start3A_159 = arith.constant 0 : i32
      %dma_start3A_160 = tpu.memref_slice %arg12[%add3A_17, %dma_start3A_159] : memref<10240x128xf32, #tpu.memory_space<vmem_shared>> -> memref<128x128xf32, #tpu.memory_space<vmem_shared>>
      tpu.enqueue_dma source(%arg10 : memref<128x128xf32, #tpu.memory_space<vmem>>) target(%dma_start3A_160 : memref<128x128xf32, #tpu.memory_space<vmem_shared>>) target_semaphore(%run_scoped3A : memref<!tpu.dma_semaphore, #tpu.memory_space<semaphore_mem>>)
      %dma_wait3A_161 = arith.constant 0 : i32
      %dma_wait3A_162 = tpu.memref_slice %arg12[%add3A_17, %dma_wait3A_161] : memref<10240x128xf32, #tpu.memory_space<vmem_shared>> -> memref<128x128xf32, #tpu.memory_space<vmem_shared>>
      %dma_wait3A_163 = arith.constant 0 : i32
      %dma_wait3A_164 = tpu.memref_slice %arg12[%add3A_17, %dma_wait3A_163] : memref<10240x128xf32, #tpu.memory_space<vmem_shared>> -> memref<128x128xf32, #tpu.memory_space<vmem_shared>>
      tpu.wait_dma2 semaphore(%run_scoped3A : memref<!tpu.dma_semaphore, #tpu.memory_space<semaphore_mem>>) src(%arg10 : memref<128x128xf32, #tpu.memory_space<vmem>>) dst(%dma_wait3A_164 : memref<128x128xf32, #tpu.memory_space<vmem_shared>>)
      tpu.yield
    }) : () -> ()
    %mul3A_18 = arith.constant 640 : i32
    %mul3A_19 = arith.muli %arg1, %mul3A_18 : i32
    %add3A_20 = arith.constant 384 : i32
    %add3A_21 = arith.addi %mul3A_19, %add3A_20 : i32
    "tpu.region"() ({
      %run_scoped3A = tpu.sem_alloc : memref<!tpu.dma_semaphore, #tpu.memory_space<semaphore_mem>>
      %dma_start3A_157 = arith.constant 0 : i32
      %dma_start3A_158 = tpu.memref_slice %arg12[%add3A_21, %dma_start3A_157] : memref<10240x128xf32, #tpu.memory_space<vmem_shared>> -> memref<128x128xf32, #tpu.memory_space<vmem_shared>>
      %dma_start3A_159 = arith.constant 0 : i32
      %dma_start3A_160 = tpu.memref_slice %arg12[%add3A_21, %dma_start3A_159] : memref<10240x128xf32, #tpu.memory_space<vmem_shared>> -> memref<128x128xf32, #tpu.memory_space<vmem_shared>>
      tpu.enqueue_dma source(%arg10 : memref<128x128xf32, #tpu.memory_space<vmem>>) target(%dma_start3A_160 : memref<128x128xf32, #tpu.memory_space<vmem_shared>>) target_semaphore(%run_scoped3A : memref<!tpu.dma_semaphore, #tpu.memory_space<semaphore_mem>>)
      %dma_wait3A_161 = arith.constant 0 : i32
      %dma_wait3A_162 = tpu.memref_slice %arg12[%add3A_21, %dma_wait3A_161] : memref<10240x128xf32, #tpu.memory_space<vmem_shared>> -> memref<128x128xf32, #tpu.memory_space<vmem_shared>>
      %dma_wait3A_163 = arith.constant 0 : i32
      %dma_wait3A_164 = tpu.memref_slice %arg12[%add3A_21, %dma_wait3A_163] : memref<10240x128xf32, #tpu.memory_space<vmem_shared>> -> memref<128x128xf32, #tpu.memory_space<vmem_shared>>
      tpu.wait_dma2 semaphore(%run_scoped3A : memref<!tpu.dma_semaphore, #tpu.memory_space<semaphore_mem>>) src(%arg10 : memref<128x128xf32, #tpu.memory_space<vmem>>) dst(%dma_wait3A_164 : memref<128x128xf32, #tpu.memory_space<vmem_shared>>)
      tpu.yield
    }) : () -> ()
    %mul3A_22 = arith.constant 640 : i32
    %mul3A_23 = arith.muli %arg1, %mul3A_22 : i32
    %add3A_24 = arith.constant 512 : i32
    %add3A_25 = arith.addi %mul3A_23, %add3A_24 : i32
    "tpu.region"() ({
      %run_scoped3A = tpu.sem_alloc : memref<!tpu.dma_semaphore, #tpu.memory_space<semaphore_mem>>
      %dma_start3A_157 = arith.constant 0 : i32
      %dma_start3A_158 = tpu.memref_slice %arg12[%add3A_25, %dma_start3A_157] : memref<10240x128xf32, #tpu.memory_space<vmem_shared>> -> memref<128x128xf32, #tpu.memory_space<vmem_shared>>
      %dma_start3A_159 = arith.constant 0 : i32
      %dma_start3A_160 = tpu.memref_slice %arg12[%add3A_25, %dma_start3A_159] : memref<10240x128xf32, #tpu.memory_space<vmem_shared>> -> memref<128x128xf32, #tpu.memory_space<vmem_shared>>
      tpu.enqueue_dma source(%arg10 : memref<128x128xf32, #tpu.memory_space<vmem>>) target(%dma_start3A_160 : memref<128x128xf32, #tpu.memory_space<vmem_shared>>) target_semaphore(%run_scoped3A : memref<!tpu.dma_semaphore, #tpu.memory_space<semaphore_mem>>)
      %dma_wait3A_161 = arith.constant 0 : i32
      %dma_wait3A_162 = tpu.memref_slice %arg12[%add3A_25, %dma_wait3A_161] : memref<10240x128xf32, #tpu.memory_space<vmem_shared>> -> memref<128x128xf32, #tpu.memory_space<vmem_shared>>
      %dma_wait3A_163 = arith.constant 0 : i32
      %dma_wait3A_164 = tpu.memref_slice %arg12[%add3A_25, %dma_wait3A_163] : memref<10240x128xf32, #tpu.memory_space<vmem_shared>> -> memref<128x128xf32, #tpu.memory_space<vmem_shared>>
      tpu.wait_dma2 semaphore(%run_scoped3A : memref<!tpu.dma_semaphore, #tpu.memory_space<semaphore_mem>>) src(%arg10 : memref<128x128xf32, #tpu.memory_space<vmem>>) dst(%dma_wait3A_164 : memref<128x128xf32, #tpu.memory_space<vmem_shared>>)
      tpu.yield
    }) : () -> ()
    %broadcast_in_dim3A = arith.constant 10000 : i32
    %broadcast_in_dim3A_26 = vector.broadcast %broadcast_in_dim3A : i32 to vector<16xi32>
    %swap3A = arith.constant 0 : index
    %swap3A_27 = tpu.vector_load %arg7[%swap3A] {strides = array<i32>} : memref<128xi32, #tpu.memory_space<vmem>>, vector<16xi32>,
    %swap3A_28 = vector.shape_cast %swap3A_27 : vector<16xi32> to vector<16xi32>
    %swap3A_29 = vector.shape_cast %broadcast_in_dim3A_26 : vector<16xi32> to vector<16xi32>
    tpu.vector_store %arg7[%swap3A], %swap3A_29 {strides = array<i32>} : memref<128xi32, #tpu.memory_space<vmem>>, vector<16xi32>,
    %broadcast_in_dim3A_30 = arith.constant 10000 : i32
    %broadcast_in_dim3A_31 = vector.broadcast %broadcast_in_dim3A_30 : i32 to vector<16xi32>
    %swap3A_32 = arith.constant 0 : index
    %swap3A_33 = tpu.vector_load %arg9[%swap3A_32] {strides = array<i32>} : memref<128xi32, #tpu.memory_space<vmem>>, vector<16xi32>,
    %swap3A_34 = vector.shape_cast %swap3A_33 : vector<16xi32> to vector<16xi32>
    %swap3A_35 = vector.shape_cast %broadcast_in_dim3A_31 : vector<16xi32> to vector<16xi32>
    tpu.vector_store %arg9[%swap3A_32], %swap3A_35 {strides = array<i32>} : memref<128xi32, #tpu.memory_space<vmem>>, vector<16xi32>,
    %broadcast_in_dim3A_36 = arith.constant 10000 : i32
    %broadcast_in_dim3A_37 = vector.broadcast %broadcast_in_dim3A_36 : i32 to vector<16xi32>
    %swap3A_38 = arith.constant 16 : index
    %swap3A_39 = tpu.vector_load %arg7[%swap3A_38] {strides = array<i32>} : memref<128xi32, #tpu.memory_space<vmem>>, vector<16xi32>,
    %swap3A_40 = vector.shape_cast %swap3A_39 : vector<16xi32> to vector<16xi32>
    %swap3A_41 = vector.shape_cast %broadcast_in_dim3A_37 : vector<16xi32> to vector<16xi32>
    tpu.vector_store %arg7[%swap3A_38], %swap3A_41 {strides = array<i32>} : memref<128xi32, #tpu.memory_space<vmem>>, vector<16xi32>,
    %broadcast_in_dim3A_42 = arith.constant 10000 : i32
    %broadcast_in_dim3A_43 = vector.broadcast %broadcast_in_dim3A_42 : i32 to vector<16xi32>
    %swap3A_44 = arith.constant 16 : index
    %swap3A_45 = tpu.vector_load %arg9[%swap3A_44] {strides = array<i32>} : memref<128xi32, #tpu.memory_space<vmem>>, vector<16xi32>,
    %swap3A_46 = vector.shape_cast %swap3A_45 : vector<16xi32> to vector<16xi32>
    %swap3A_47 = vector.shape_cast %broadcast_in_dim3A_43 : vector<16xi32> to vector<16xi32>
    tpu.vector_store %arg9[%swap3A_44], %swap3A_47 {strides = array<i32>} : memref<128xi32, #tpu.memory_space<vmem>>, vector<16xi32>,
    %broadcast_in_dim3A_48 = arith.constant 10000 : i32
    %broadcast_in_dim3A_49 = vector.broadcast %broadcast_in_dim3A_48 : i32 to vector<16xi32>
    %swap3A_50 = arith.constant 32 : index
    %swap3A_51 = tpu.vector_load %arg7[%swap3A_50] {strides = array<i32>} : memref<128xi32, #tpu.memory_space<vmem>>, vector<16xi32>,
    %swap3A_52 = vector.shape_cast %swap3A_51 : vector<16xi32> to vector<16xi32>
    %swap3A_53 = vector.shape_cast %broadcast_in_dim3A_49 : vector<16xi32> to vector<16xi32>
    tpu.vector_store %arg7[%swap3A_50], %swap3A_53 {strides = array<i32>} : memref<128xi32, #tpu.memory_space<vmem>>, vector<16xi32>,
    %broadcast_in_dim3A_54 = arith.constant 10000 : i32
    %broadcast_in_dim3A_55 = vector.broadcast %broadcast_in_dim3A_54 : i32 to vector<16xi32>
    %swap3A_56 = arith.constant 32 : index
    %swap3A_57 = tpu.vector_load %arg9[%swap3A_56] {strides = array<i32>} : memref<128xi32, #tpu.memory_space<vmem>>, vector<16xi32>,
    %swap3A_58 = vector.shape_cast %swap3A_57 : vector<16xi32> to vector<16xi32>
    %swap3A_59 = vector.shape_cast %broadcast_in_dim3A_55 : vector<16xi32> to vector<16xi32>
    tpu.vector_store %arg9[%swap3A_56], %swap3A_59 {strides = array<i32>} : memref<128xi32, #tpu.memory_space<vmem>>, vector<16xi32>,
    %broadcast_in_dim3A_60 = arith.constant 10000 : i32
    %broadcast_in_dim3A_61 = vector.broadcast %broadcast_in_dim3A_60 : i32 to vector<16xi32>
    %swap3A_62 = arith.constant 48 : index
    %swap3A_63 = tpu.vector_load %arg7[%swap3A_62] {strides = array<i32>} : memref<128xi32, #tpu.memory_space<vmem>>, vector<16xi32>,
    %swap3A_64 = vector.shape_cast %swap3A_63 : vector<16xi32> to vector<16xi32>
    %swap3A_65 = vector.shape_cast %broadcast_in_dim3A_61 : vector<16xi32> to vector<16xi32>
    tpu.vector_store %arg7[%swap3A_62], %swap3A_65 {strides = array<i32>} : memref<128xi32, #tpu.memory_space<vmem>>, vector<16xi32>,
    %broadcast_in_dim3A_66 = arith.constant 10000 : i32
    %broadcast_in_dim3A_67 = vector.broadcast %broadcast_in_dim3A_66 : i32 to vector<16xi32>
    %swap3A_68 = arith.constant 48 : index
    %swap3A_69 = tpu.vector_load %arg9[%swap3A_68] {strides = array<i32>} : memref<128xi32, #tpu.memory_space<vmem>>, vector<16xi32>,
    %swap3A_70 = vector.shape_cast %swap3A_69 : vector<16xi32> to vector<16xi32>
    %swap3A_71 = vector.shape_cast %broadcast_in_dim3A_67 : vector<16xi32> to vector<16xi32>
    tpu.vector_store %arg9[%swap3A_68], %swap3A_71 {strides = array<i32>} : memref<128xi32, #tpu.memory_space<vmem>>, vector<16xi32>,
    %broadcast_in_dim3A_72 = arith.constant 10000 : i32
    %broadcast_in_dim3A_73 = vector.broadcast %broadcast_in_dim3A_72 : i32 to vector<16xi32>
    %swap3A_74 = arith.constant 64 : index
    %swap3A_75 = tpu.vector_load %arg7[%swap3A_74] {strides = array<i32>} : memref<128xi32, #tpu.memory_space<vmem>>, vector<16xi32>,
    %swap3A_76 = vector.shape_cast %swap3A_75 : vector<16xi32> to vector<16xi32>
    %swap3A_77 = vector.shape_cast %broadcast_in_dim3A_73 : vector<16xi32> to vector<16xi32>
    tpu.vector_store %arg7[%swap3A_74], %swap3A_77 {strides = array<i32>} : memref<128xi32, #tpu.memory_space<vmem>>, vector<16xi32>,
    %broadcast_in_dim3A_78 = arith.constant 10000 : i32
    %broadcast_in_dim3A_79 = vector.broadcast %broadcast_in_dim3A_78 : i32 to vector<16xi32>
    %swap3A_80 = arith.constant 64 : index
    %swap3A_81 = tpu.vector_load %arg9[%swap3A_80] {strides = array<i32>} : memref<128xi32, #tpu.memory_space<vmem>>, vector<16xi32>,
    %swap3A_82 = vector.shape_cast %swap3A_81 : vector<16xi32> to vector<16xi32>
    %swap3A_83 = vector.shape_cast %broadcast_in_dim3A_79 : vector<16xi32> to vector<16xi32>
    tpu.vector_store %arg9[%swap3A_80], %swap3A_83 {strides = array<i32>} : memref<128xi32, #tpu.memory_space<vmem>>, vector<16xi32>,
    %broadcast_in_dim3A_84 = arith.constant 10000 : i32
    %broadcast_in_dim3A_85 = vector.broadcast %broadcast_in_dim3A_84 : i32 to vector<16xi32>
    %swap3A_86 = arith.constant 80 : index
    %swap3A_87 = tpu.vector_load %arg7[%swap3A_86] {strides = array<i32>} : memref<128xi32, #tpu.memory_space<vmem>>, vector<16xi32>,
    %swap3A_88 = vector.shape_cast %swap3A_87 : vector<16xi32> to vector<16xi32>
    %swap3A_89 = vector.shape_cast %broadcast_in_dim3A_85 : vector<16xi32> to vector<16xi32>
    tpu.vector_store %arg7[%swap3A_86], %swap3A_89 {strides = array<i32>} : memref<128xi32, #tpu.memory_space<vmem>>, vector<16xi32>,
    %broadcast_in_dim3A_90 = arith.constant 10000 : i32
    %broadcast_in_dim3A_91 = vector.broadcast %broadcast_in_dim3A_90 : i32 to vector<16xi32>
    %swap3A_92 = arith.constant 80 : index
    %swap3A_93 = tpu.vector_load %arg9[%swap3A_92] {strides = array<i32>} : memref<128xi32, #tpu.memory_space<vmem>>, vector<16xi32>,
    %swap3A_94 = vector.shape_cast %swap3A_93 : vector<16xi32> to vector<16xi32>
    %swap3A_95 = vector.shape_cast %broadcast_in_dim3A_91 : vector<16xi32> to vector<16xi32>
    tpu.vector_store %arg9[%swap3A_92], %swap3A_95 {strides = array<i32>} : memref<128xi32, #tpu.memory_space<vmem>>, vector<16xi32>,
    %broadcast_in_dim3A_96 = arith.constant 10000 : i32
    %broadcast_in_dim3A_97 = vector.broadcast %broadcast_in_dim3A_96 : i32 to vector<16xi32>
    %swap3A_98 = arith.constant 96 : index
    %swap3A_99 = tpu.vector_load %arg7[%swap3A_98] {strides = array<i32>} : memref<128xi32, #tpu.memory_space<vmem>>, vector<16xi32>,
    %swap3A_100 = vector.shape_cast %swap3A_99 : vector<16xi32> to vector<16xi32>
    %swap3A_101 = vector.shape_cast %broadcast_in_dim3A_97 : vector<16xi32> to vector<16xi32>
    tpu.vector_store %arg7[%swap3A_98], %swap3A_101 {strides = array<i32>} : memref<128xi32, #tpu.memory_space<vmem>>, vector<16xi32>,
    %broadcast_in_dim3A_102 = arith.constant 10000 : i32
    %broadcast_in_dim3A_103 = vector.broadcast %broadcast_in_dim3A_102 : i32 to vector<16xi32>
    %swap3A_104 = arith.constant 96 : index
    %swap3A_105 = tpu.vector_load %arg9[%swap3A_104] {strides = array<i32>} : memref<128xi32, #tpu.memory_space<vmem>>, vector<16xi32>,
    %swap3A_106 = vector.shape_cast %swap3A_105 : vector<16xi32> to vector<16xi32>
    %swap3A_107 = vector.shape_cast %broadcast_in_dim3A_103 : vector<16xi32> to vector<16xi32>
    tpu.vector_store %arg9[%swap3A_104], %swap3A_107 {strides = array<i32>} : memref<128xi32, #tpu.memory_space<vmem>>, vector<16xi32>,
    %broadcast_in_dim3A_108 = arith.constant 10000 : i32
    %broadcast_in_dim3A_109 = vector.broadcast %broadcast_in_dim3A_108 : i32 to vector<16xi32>
    %swap3A_110 = arith.constant 112 : index
    %swap3A_111 = tpu.vector_load %arg7[%swap3A_110] {strides = array<i32>} : memref<128xi32, #tpu.memory_space<vmem>>, vector<16xi32>,
    %swap3A_112 = vector.shape_cast %swap3A_111 : vector<16xi32> to vector<16xi32>
    %swap3A_113 = vector.shape_cast %broadcast_in_dim3A_109 : vector<16xi32> to vector<16xi32>
    tpu.vector_store %arg7[%swap3A_110], %swap3A_113 {strides = array<i32>} : memref<128xi32, #tpu.memory_space<vmem>>, vector<16xi32>,
    %broadcast_in_dim3A_114 = arith.constant 10000 : i32
    %broadcast_in_dim3A_115 = vector.broadcast %broadcast_in_dim3A_114 : i32 to vector<16xi32>
    %swap3A_116 = arith.constant 112 : index
    %swap3A_117 = tpu.vector_load %arg9[%swap3A_116] {strides = array<i32>} : memref<128xi32, #tpu.memory_space<vmem>>, vector<16xi32>,
    %swap3A_118 = vector.shape_cast %swap3A_117 : vector<16xi32> to vector<16xi32>
    %swap3A_119 = vector.shape_cast %broadcast_in_dim3A_115 : vector<16xi32> to vector<16xi32>
    tpu.vector_store %arg9[%swap3A_116], %swap3A_119 {strides = array<i32>} : memref<128xi32, #tpu.memory_space<vmem>>, vector<16xi32>,
    %barrier3A = arith.constant 0 : index
    tpu.barrier barrier_id(%barrier3A)
    %dma_start3A = arith.constant 0 : i32
    %dma_start3A_120 = arith.constant 0 : i32
    %dma_start3A_121 = tpu.memref_slice %arg12[%dma_start3A, %dma_start3A_120] : memref<10240x128xf32, #tpu.memory_space<vmem_shared>> -> memref<10240x128xf32, #tpu.memory_space<vmem_shared>>
    tpu.enqueue_indirect_dma source(%arg10 : memref<128x128xf32, #tpu.memory_space<vmem>>) target(%dma_start3A_121 : memref<10240x128xf32, #tpu.memory_space<vmem_shared>>) offsets(%arg7 : memref<128xi32, #tpu.memory_space<vmem>>) semaphore(%arg14 : memref<!tpu.dma_semaphore, #tpu.memory_space<semaphore_mem>>) {add = true}
    %dma_start3A_122 = arith.constant 0 : i32
    %dma_start3A_123 = arith.constant 0 : i32
    %dma_start3A_124 = tpu.memref_slice %arg12[%dma_start3A_122, %dma_start3A_123] : memref<10240x128xf32, #tpu.memory_space<vmem_shared>> -> memref<10240x128xf32, #tpu.memory_space<vmem_shared>>
    tpu.enqueue_indirect_dma source(%arg11 : memref<128x128xf32, #tpu.memory_space<vmem>>) target(%dma_start3A_124 : memref<10240x128xf32, #tpu.memory_space<vmem_shared>>) offsets(%arg9 : memref<128xi32, #tpu.memory_space<vmem>>) semaphore(%arg15 : memref<!tpu.dma_semaphore, #tpu.memory_space<semaphore_mem>>) {add = true}
    %scan3A_125 = arith.constant 0 : i32
    %scan3A_126 = arith.constant 0 : i32
    %scan3A_127 = arith.constant 39 : i32
    %scan3A_128 = arith.addi %scan3A_126, %scan3A_127 : i32
    %scan3A_129 = arith.constant 1 : i32
    scf.for %scan3A_157 = %scan3A_126 to %scan3A_128 step %scan3A_129  : i32 {
      %mul3A_158 = arith.constant 2 : i32
      %mul3A_159 = arith.muli %mul3A_158, %scan3A_157 : i32
      %mul3A_160 = arith.constant 10112 : i32
      %mul3A_161 = arith.muli %add3A, %mul3A_160 : i32
      %mul3A_162 = arith.constant 128 : i32
      %mul3A_163 = arith.muli %mul3A_159, %mul3A_162 : i32
      %add3A_164 = arith.addi %mul3A_161, %mul3A_163 : i32
      "tpu.region"() ({
        %run_scoped3A = tpu.sem_alloc : memref<!tpu.dma_semaphore, #tpu.memory_space<semaphore_mem>>
        %dma_start3A_198 = tpu.memref_slice %arg2[%add3A_164] : memref<323584xi32, #tpu.memory_space<hbm>> -> memref<128xi32, #tpu.memory_space<hbm>>
        %dma_start3A_199 = tpu.memref_slice %arg2[%add3A_164] : memref<323584xi32, #tpu.memory_space<hbm>> -> memref<128xi32, #tpu.memory_space<hbm>>
        tpu.enqueue_dma source(%dma_start3A_199 : memref<128xi32, #tpu.memory_space<hbm>>) target(%arg6 : memref<128xi32, #tpu.memory_space<vmem>>) target_semaphore(%run_scoped3A : memref<!tpu.dma_semaphore, #tpu.memory_space<semaphore_mem>>)
        %dma_wait3A_200 = tpu.memref_slice %arg2[%add3A_164] : memref<323584xi32, #tpu.memory_space<hbm>> -> memref<128xi32, #tpu.memory_space<hbm>>
        %dma_wait3A_201 = tpu.memref_slice %arg2[%add3A_164] : memref<323584xi32, #tpu.memory_space<hbm>> -> memref<128xi32, #tpu.memory_space<hbm>>
        tpu.wait_dma2 semaphore(%run_scoped3A : memref<!tpu.dma_semaphore, #tpu.memory_space<semaphore_mem>>) src(%dma_wait3A_201 : memref<128xi32, #tpu.memory_space<hbm>>) dst(%arg6 : memref<128xi32, #tpu.memory_space<vmem>>)
        tpu.yield
      }) : () -> ()
      %dma_wait3A_165 = arith.constant 0 : i32
      %dma_wait3A_166 = arith.constant 0 : i32
      %dma_wait3A_167 = tpu.memref_slice %arg12[%dma_wait3A_165, %dma_wait3A_166] : memref<10240x128xf32, #tpu.memory_space<vmem_shared>> -> memref<10240x128xf32, #tpu.memory_space<vmem_shared>>
      tpu.wait_indirect_dma semaphore(%arg14 : memref<!tpu.dma_semaphore, #tpu.memory_space<semaphore_mem>>) src(%arg10 : memref<128x128xf32, #tpu.memory_space<vmem>>) dst(%dma_wait3A_167 : memref<10240x128xf32, #tpu.memory_space<vmem_shared>>)
      %dma_start3A_168 = arith.constant 0 : i32
      %dma_start3A_169 = arith.constant 0 : i32
      %dma_start3A_170 = tpu.memref_slice %arg4[%dma_start3A_168, %dma_start3A_169] : memref<10240x128xf32, #tpu.memory_space<hbm>> -> memref<10240x128xf32, #tpu.memory_space<hbm>>
      tpu.enqueue_indirect_dma source(%dma_start3A_170 : memref<10240x128xf32, #tpu.memory_space<hbm>>) target(%arg10 : memref<128x128xf32, #tpu.memory_space<vmem>>) offsets(%arg6 : memref<128xi32, #tpu.memory_space<vmem>>) semaphore(%arg13 : memref<!tpu.dma_semaphore, #tpu.memory_space<semaphore_mem>>)
      "tpu.region"() ({
        %run_scoped3A = tpu.sem_alloc : memref<!tpu.dma_semaphore, #tpu.memory_space<semaphore_mem>>
        %dma_start3A_198 = tpu.memref_slice %arg3[%add3A_164] : memref<323584xi32, #tpu.memory_space<hbm>> -> memref<128xi32, #tpu.memory_space<hbm>>
        %dma_start3A_199 = tpu.memref_slice %arg3[%add3A_164] : memref<323584xi32, #tpu.memory_space<hbm>> -> memref<128xi32, #tpu.memory_space<hbm>>
        tpu.enqueue_dma source(%dma_start3A_199 : memref<128xi32, #tpu.memory_space<hbm>>) target(%arg7 : memref<128xi32, #tpu.memory_space<vmem>>) target_semaphore(%run_scoped3A : memref<!tpu.dma_semaphore, #tpu.memory_space<semaphore_mem>>)
        %dma_wait3A_200 = tpu.memref_slice %arg3[%add3A_164] : memref<323584xi32, #tpu.memory_space<hbm>> -> memref<128xi32, #tpu.memory_space<hbm>>
        %dma_wait3A_201 = tpu.memref_slice %arg3[%add3A_164] : memref<323584xi32, #tpu.memory_space<hbm>> -> memref<128xi32, #tpu.memory_space<hbm>>
        tpu.wait_dma2 semaphore(%run_scoped3A : memref<!tpu.dma_semaphore, #tpu.memory_space<semaphore_mem>>) src(%dma_wait3A_201 : memref<128xi32, #tpu.memory_space<hbm>>) dst(%arg7 : memref<128xi32, #tpu.memory_space<vmem>>)
        tpu.yield
      }) : () -> ()
      %dma_wait3A_171 = arith.constant 0 : i32
      %dma_wait3A_172 = arith.constant 0 : i32
      %dma_wait3A_173 = tpu.memref_slice %arg4[%dma_wait3A_171, %dma_wait3A_172] : memref<10240x128xf32, #tpu.memory_space<hbm>> -> memref<10240x128xf32, #tpu.memory_space<hbm>>
      tpu.wait_indirect_dma semaphore(%arg13 : memref<!tpu.dma_semaphore, #tpu.memory_space<semaphore_mem>>) src(%dma_wait3A_173 : memref<10240x128xf32, #tpu.memory_space<hbm>>) dst(%arg10 : memref<128x128xf32, #tpu.memory_space<vmem>>)
      %dma_start3A_174 = arith.constant 0 : i32
      %dma_start3A_175 = arith.constant 0 : i32
      %dma_start3A_176 = tpu.memref_slice %arg12[%dma_start3A_174, %dma_start3A_175] : memref<10240x128xf32, #tpu.memory_space<vmem_shared>> -> memref<10240x128xf32, #tpu.memory_space<vmem_shared>>
      tpu.enqueue_indirect_dma source(%arg10 : memref<128x128xf32, #tpu.memory_space<vmem>>) target(%dma_start3A_176 : memref<10240x128xf32, #tpu.memory_space<vmem_shared>>) offsets(%arg7 : memref<128xi32, #tpu.memory_space<vmem>>) semaphore(%arg14 : memref<!tpu.dma_semaphore, #tpu.memory_space<semaphore_mem>>) {add = true}
      %mul3A_177 = arith.constant 2 : i32
      %mul3A_178 = arith.muli %mul3A_177, %scan3A_157 : i32
      %add3A_179 = arith.constant 1 : i32
      %add3A_180 = arith.addi %mul3A_178, %add3A_179 : i32
      %mul3A_181 = arith.constant 10112 : i32
      %mul3A_182 = arith.muli %add3A, %mul3A_181 : i32
      %mul3A_183 = arith.constant 128 : i32
      %mul3A_184 = arith.muli %add3A_180, %mul3A_183 : i32
      %add3A_185 = arith.addi %mul3A_182, %mul3A_184 : i32
      "tpu.region"() ({
        %run_scoped3A = tpu.sem_alloc : memref<!tpu.dma_semaphore, #tpu.memory_space<semaphore_mem>>
        %dma_start3A_198 = tpu.memref_slice %arg2[%add3A_185] : memref<323584xi32, #tpu.memory_space<hbm>> -> memref<128xi32, #tpu.memory_space<hbm>>
        %dma_start3A_199 = tpu.memref_slice %arg2[%add3A_185] : memref<323584xi32, #tpu.memory_space<hbm>> -> memref<128xi32, #tpu.memory_space<hbm>>
        tpu.enqueue_dma source(%dma_start3A_199 : memref<128xi32, #tpu.memory_space<hbm>>) target(%arg8 : memref<128xi32, #tpu.memory_space<vmem>>) target_semaphore(%run_scoped3A : memref<!tpu.dma_semaphore, #tpu.memory_space<semaphore_mem>>)
        %dma_wait3A_200 = tpu.memref_slice %arg2[%add3A_185] : memref<323584xi32, #tpu.memory_space<hbm>> -> memref<128xi32, #tpu.memory_space<hbm>>
        %dma_wait3A_201 = tpu.memref_slice %arg2[%add3A_185] : memref<323584xi32, #tpu.memory_space<hbm>> -> memref<128xi32, #tpu.memory_space<hbm>>
        tpu.wait_dma2 semaphore(%run_scoped3A : memref<!tpu.dma_semaphore, #tpu.memory_space<semaphore_mem>>) src(%dma_wait3A_201 : memref<128xi32, #tpu.memory_space<hbm>>) dst(%arg8 : memref<128xi32, #tpu.memory_space<vmem>>)
        tpu.yield
      }) : () -> ()
      %dma_wait3A_186 = arith.constant 0 : i32
      %dma_wait3A_187 = arith.constant 0 : i32
      %dma_wait3A_188 = tpu.memref_slice %arg12[%dma_wait3A_186, %dma_wait3A_187] : memref<10240x128xf32, #tpu.memory_space<vmem_shared>> -> memref<10240x128xf32, #tpu.memory_space<vmem_shared>>
      tpu.wait_indirect_dma semaphore(%arg15 : memref<!tpu.dma_semaphore, #tpu.memory_space<semaphore_mem>>) src(%arg11 : memref<128x128xf32, #tpu.memory_space<vmem>>) dst(%dma_wait3A_188 : memref<10240x128xf32, #tpu.memory_space<vmem_shared>>)
      %dma_start3A_189 = arith.constant 0 : i32
      %dma_start3A_190 = arith.constant 0 : i32
      %dma_start3A_191 = tpu.memref_slice %arg4[%dma_start3A_189, %dma_start3A_190] : memref<10240x128xf32, #tpu.memory_space<hbm>> -> memref<10240x128xf32, #tpu.memory_space<hbm>>
      tpu.enqueue_indirect_dma source(%dma_start3A_191 : memref<10240x128xf32, #tpu.memory_space<hbm>>) target(%arg11 : memref<128x128xf32, #tpu.memory_space<vmem>>) offsets(%arg8 : memref<128xi32, #tpu.memory_space<vmem>>) semaphore(%arg13 : memref<!tpu.dma_semaphore, #tpu.memory_space<semaphore_mem>>)
      "tpu.region"() ({
        %run_scoped3A = tpu.sem_alloc : memref<!tpu.dma_semaphore, #tpu.memory_space<semaphore_mem>>
        %dma_start3A_198 = tpu.memref_slice %arg3[%add3A_185] : memref<323584xi32, #tpu.memory_space<hbm>> -> memref<128xi32, #tpu.memory_space<hbm>>
        %dma_start3A_199 = tpu.memref_slice %arg3[%add3A_185] : memref<323584xi32, #tpu.memory_space<hbm>> -> memref<128xi32, #tpu.memory_space<hbm>>
        tpu.enqueue_dma source(%dma_start3A_199 : memref<128xi32, #tpu.memory_space<hbm>>) target(%arg9 : memref<128xi32, #tpu.memory_space<vmem>>) target_semaphore(%run_scoped3A : memref<!tpu.dma_semaphore, #tpu.memory_space<semaphore_mem>>)
        %dma_wait3A_200 = tpu.memref_slice %arg3[%add3A_185] : memref<323584xi32, #tpu.memory_space<hbm>> -> memref<128xi32, #tpu.memory_space<hbm>>
        %dma_wait3A_201 = tpu.memref_slice %arg3[%add3A_185] : memref<323584xi32, #tpu.memory_space<hbm>> -> memref<128xi32, #tpu.memory_space<hbm>>
        tpu.wait_dma2 semaphore(%run_scoped3A : memref<!tpu.dma_semaphore, #tpu.memory_space<semaphore_mem>>) src(%dma_wait3A_201 : memref<128xi32, #tpu.memory_space<hbm>>) dst(%arg9 : memref<128xi32, #tpu.memory_space<vmem>>)
        tpu.yield
      }) : () -> ()
      %dma_wait3A_192 = arith.constant 0 : i32
      %dma_wait3A_193 = arith.constant 0 : i32
      %dma_wait3A_194 = tpu.memref_slice %arg4[%dma_wait3A_192, %dma_wait3A_193] : memref<10240x128xf32, #tpu.memory_space<hbm>> -> memref<10240x128xf32, #tpu.memory_space<hbm>>
      tpu.wait_indirect_dma semaphore(%arg13 : memref<!tpu.dma_semaphore, #tpu.memory_space<semaphore_mem>>) src(%dma_wait3A_194 : memref<10240x128xf32, #tpu.memory_space<hbm>>) dst(%arg11 : memref<128x128xf32, #tpu.memory_space<vmem>>)
      %dma_start3A_195 = arith.constant 0 : i32
      %dma_start3A_196 = arith.constant 0 : i32
      %dma_start3A_197 = tpu.memref_slice %arg12[%dma_start3A_195, %dma_start3A_196] : memref<10240x128xf32, #tpu.memory_space<vmem_shared>> -> memref<10240x128xf32, #tpu.memory_space<vmem_shared>>
      tpu.enqueue_indirect_dma source(%arg11 : memref<128x128xf32, #tpu.memory_space<vmem>>) target(%dma_start3A_197 : memref<10240x128xf32, #tpu.memory_space<vmem_shared>>) offsets(%arg9 : memref<128xi32, #tpu.memory_space<vmem>>) semaphore(%arg15 : memref<!tpu.dma_semaphore, #tpu.memory_space<semaphore_mem>>) {add = true}
    }
    %scan3A_130 = arith.constant 39 : i32
    %mul3A_131 = arith.constant 10112 : i32
    %mul3A_132 = arith.muli %add3A, %mul3A_131 : i32
    %add3A_133 = arith.constant 9984 : i32
    %add3A_134 = arith.addi %mul3A_132, %add3A_133 : i32
    "tpu.region"() ({
      %run_scoped3A = tpu.sem_alloc : memref<!tpu.dma_semaphore, #tpu.memory_space<semaphore_mem>>
      %dma_start3A_157 = tpu.memref_slice %arg2[%add3A_134] : memref<323584xi32, #tpu.memory_space<hbm>> -> memref<128xi32, #tpu.memory_space<hbm>>
      %dma_start3A_158 = tpu.memref_slice %arg2[%add3A_134] : memref<323584xi32, #tpu.memory_space<hbm>> -> memref<128xi32, #tpu.memory_space<hbm>>
      tpu.enqueue_dma source(%dma_start3A_158 : memref<128xi32, #tpu.memory_space<hbm>>) target(%arg6 : memref<128xi32, #tpu.memory_space<vmem>>) target_semaphore(%run_scoped3A : memref<!tpu.dma_semaphore, #tpu.memory_space<semaphore_mem>>)
      %dma_wait3A_159 = tpu.memref_slice %arg2[%add3A_134] : memref<323584xi32, #tpu.memory_space<hbm>> -> memref<128xi32, #tpu.memory_space<hbm>>
      %dma_wait3A_160 = tpu.memref_slice %arg2[%add3A_134] : memref<323584xi32, #tpu.memory_space<hbm>> -> memref<128xi32, #tpu.memory_space<hbm>>
      tpu.wait_dma2 semaphore(%run_scoped3A : memref<!tpu.dma_semaphore, #tpu.memory_space<semaphore_mem>>) src(%dma_wait3A_160 : memref<128xi32, #tpu.memory_space<hbm>>) dst(%arg6 : memref<128xi32, #tpu.memory_space<vmem>>)
      tpu.yield
    }) : () -> ()
    %dma_wait3A = arith.constant 0 : i32
    %dma_wait3A_135 = arith.constant 0 : i32
    %dma_wait3A_136 = tpu.memref_slice %arg12[%dma_wait3A, %dma_wait3A_135] : memref<10240x128xf32, #tpu.memory_space<vmem_shared>> -> memref<10240x128xf32, #tpu.memory_space<vmem_shared>>
    tpu.wait_indirect_dma semaphore(%arg14 : memref<!tpu.dma_semaphore, #tpu.memory_space<semaphore_mem>>) src(%arg10 : memref<128x128xf32, #tpu.memory_space<vmem>>) dst(%dma_wait3A_136 : memref<10240x128xf32, #tpu.memory_space<vmem_shared>>)
    %dma_start3A_137 = arith.constant 0 : i32
    %dma_start3A_138 = arith.constant 0 : i32
    %dma_start3A_139 = tpu.memref_slice %arg4[%dma_start3A_137, %dma_start3A_138] : memref<10240x128xf32, #tpu.memory_space<hbm>> -> memref<10240x128xf32, #tpu.memory_space<hbm>>
    tpu.enqueue_indirect_dma source(%dma_start3A_139 : memref<10240x128xf32, #tpu.memory_space<hbm>>) target(%arg10 : memref<128x128xf32, #tpu.memory_space<vmem>>) offsets(%arg6 : memref<128xi32, #tpu.memory_space<vmem>>) semaphore(%arg13 : memref<!tpu.dma_semaphore, #tpu.memory_space<semaphore_mem>>)
    "tpu.region"() ({
      %run_scoped3A = tpu.sem_alloc : memref<!tpu.dma_semaphore, #tpu.memory_space<semaphore_mem>>
      %dma_start3A_157 = tpu.memref_slice %arg3[%add3A_134] : memref<323584xi32, #tpu.memory_space<hbm>> -> memref<128xi32, #tpu.memory_space<hbm>>
      %dma_start3A_158 = tpu.memref_slice %arg3[%add3A_134] : memref<323584xi32, #tpu.memory_space<hbm>> -> memref<128xi32, #tpu.memory_space<hbm>>
      tpu.enqueue_dma source(%dma_start3A_158 : memref<128xi32, #tpu.memory_space<hbm>>) target(%arg7 : memref<128xi32, #tpu.memory_space<vmem>>) target_semaphore(%run_scoped3A : memref<!tpu.dma_semaphore, #tpu.memory_space<semaphore_mem>>)
      %dma_wait3A_159 = tpu.memref_slice %arg3[%add3A_134] : memref<323584xi32, #tpu.memory_space<hbm>> -> memref<128xi32, #tpu.memory_space<hbm>>
      %dma_wait3A_160 = tpu.memref_slice %arg3[%add3A_134] : memref<323584xi32, #tpu.memory_space<hbm>> -> memref<128xi32, #tpu.memory_space<hbm>>
      tpu.wait_dma2 semaphore(%run_scoped3A : memref<!tpu.dma_semaphore, #tpu.memory_space<semaphore_mem>>) src(%dma_wait3A_160 : memref<128xi32, #tpu.memory_space<hbm>>) dst(%arg7 : memref<128xi32, #tpu.memory_space<vmem>>)
      tpu.yield
    }) : () -> ()
    %dma_wait3A_140 = arith.constant 0 : i32
    %dma_wait3A_141 = arith.constant 0 : i32
    %dma_wait3A_142 = tpu.memref_slice %arg4[%dma_wait3A_140, %dma_wait3A_141] : memref<10240x128xf32, #tpu.memory_space<hbm>> -> memref<10240x128xf32, #tpu.memory_space<hbm>>
    tpu.wait_indirect_dma semaphore(%arg13 : memref<!tpu.dma_semaphore, #tpu.memory_space<semaphore_mem>>) src(%dma_wait3A_142 : memref<10240x128xf32, #tpu.memory_space<hbm>>) dst(%arg10 : memref<128x128xf32, #tpu.memory_space<vmem>>)
    %dma_start3A_143 = arith.constant 0 : i32
    %dma_start3A_144 = arith.constant 0 : i32
    %dma_start3A_145 = tpu.memref_slice %arg12[%dma_start3A_143, %dma_start3A_144] : memref<10240x128xf32, #tpu.memory_space<vmem_shared>> -> memref<10240x128xf32, #tpu.memory_space<vmem_shared>>
    tpu.enqueue_indirect_dma source(%arg10 : memref<128x128xf32, #tpu.memory_space<vmem>>) target(%dma_start3A_145 : memref<10240x128xf32, #tpu.memory_space<vmem_shared>>) offsets(%arg7 : memref<128xi32, #tpu.memory_space<vmem>>) semaphore(%arg14 : memref<!tpu.dma_semaphore, #tpu.memory_space<semaphore_mem>>) {add = true}
    %dma_wait3A_146 = arith.constant 0 : i32
    %dma_wait3A_147 = arith.constant 0 : i32
    %dma_wait3A_148 = tpu.memref_slice %arg12[%dma_wait3A_146, %dma_wait3A_147] : memref<10240x128xf32, #tpu.memory_space<vmem_shared>> -> memref<10240x128xf32, #tpu.memory_space<vmem_shared>>
    tpu.wait_indirect_dma semaphore(%arg14 : memref<!tpu.dma_semaphore, #tpu.memory_space<semaphore_mem>>) src(%arg10 : memref<128x128xf32, #tpu.memory_space<vmem>>) dst(%dma_wait3A_148 : memref<10240x128xf32, #tpu.memory_space<vmem_shared>>)
    %dma_wait3A_149 = arith.constant 0 : i32
    %dma_wait3A_150 = arith.constant 0 : i32
    %dma_wait3A_151 = tpu.memref_slice %arg12[%dma_wait3A_149, %dma_wait3A_150] : memref<10240x128xf32, #tpu.memory_space<vmem_shared>> -> memref<10240x128xf32, #tpu.memory_space<vmem_shared>>
    tpu.wait_indirect_dma semaphore(%arg15 : memref<!tpu.dma_semaphore, #tpu.memory_space<semaphore_mem>>) src(%arg11 : memref<128x128xf32, #tpu.memory_space<vmem>>) dst(%dma_wait3A_151 : memref<10240x128xf32, #tpu.memory_space<vmem_shared>>)
    %barrier3A_152 = arith.constant 0 : index
    tpu.barrier barrier_id(%barrier3A_152)
    %mul3A_153 = arith.constant 640 : i32
    %mul3A_154 = arith.muli %arg1, %mul3A_153 : i32
    %mul3A_155 = arith.constant 640 : i32
    %mul3A_156 = arith.muli %arg1, %mul3A_155 : i32
    "tpu.region"() ({
      %run_scoped3A = tpu.sem_alloc : memref<!tpu.dma_semaphore, #tpu.memory_space<semaphore_mem>>
      %dma_start3A_157 = arith.constant 0 : i32
      %dma_start3A_158 = tpu.memref_slice %arg5[%arg0, %mul3A_156, %dma_start3A_157] : memref<2x10240x128xf32, #tpu.memory_space<hbm>> -> memref<1x640x128xf32, #tpu.memory_space<hbm>>
      %dma_start3A_159 = tpu.memref_squeeze %dma_start3A_158 : memref<1x640x128xf32, #tpu.memory_space<hbm>> -> memref<640x128xf32, #tpu.memory_space<hbm>>
      %dma_start3A_160 = arith.constant 0 : i32
      %dma_start3A_161 = tpu.memref_slice %arg12[%mul3A_154, %dma_start3A_160] : memref<10240x128xf32, #tpu.memory_space<vmem_shared>> -> memref<640x128xf32, #tpu.memory_space<vmem_shared>>
      tpu.enqueue_dma source(%dma_start3A_161 : memref<640x128xf32, #tpu.memory_space<vmem_shared>>) target(%dma_start3A_159 : memref<640x128xf32, #tpu.memory_space<hbm>>) target_semaphore(%run_scoped3A : memref<!tpu.dma_semaphore, #tpu.memory_space<semaphore_mem>>)
      %dma_wait3A_162 = arith.constant 0 : i32
      %dma_wait3A_163 = tpu.memref_slice %arg5[%arg0, %mul3A_156, %dma_wait3A_162] : memref<2x10240x128xf32, #tpu.memory_space<hbm>> -> memref<1x640x128xf32, #tpu.memory_space<hbm>>
      %dma_wait3A_164 = tpu.memref_squeeze %dma_wait3A_163 : memref<1x640x128xf32, #tpu.memory_space<hbm>> -> memref<640x128xf32, #tpu.memory_space<hbm>>
      %dma_wait3A_165 = arith.constant 0 : i32
      %dma_wait3A_166 = tpu.memref_slice %arg12[%mul3A_154, %dma_wait3A_165] : memref<10240x128xf32, #tpu.memory_space<vmem_shared>> -> memref<640x128xf32, #tpu.memory_space<vmem_shared>>
      tpu.wait_dma2 semaphore(%run_scoped3A : memref<!tpu.dma_semaphore, #tpu.memory_space<semaphore_mem>>) src(%dma_wait3A_166 : memref<640x128xf32, #tpu.memory_space<vmem_shared>>) dst(%dma_wait3A_164 : memref<640x128xf32, #tpu.memory_space<hbm>>)
      tpu.yield
    }) : () -> ()
    return
  }
}

module attributes {stable_mosaic.version = 14 : i64} {
  func.func @_scale_body(%arg0: i32, %arg1: memref<256x128xf32, #tpu.memory_space<vmem>>, %arg2: memref<256x1xf32, #tpu.memory_space<vmem>>, %arg3: memref<256x1xf32, #tpu.memory_space<vmem>>, %arg4: memref<256x128xf32, #tpu.memory_space<vmem>>, %arg5: memref<256x128xf32, #tpu.memory_space<vmem>>, %arg6: memref<256x1xf32, #tpu.memory_space<vmem>>) attributes {dimension_semantics = [#tpu.dimension_semantics<arbitrary>], iteration_bounds = array<i64: 40>, scalar_prefetch = 0 : i64, scratch_operands = 0 : i64, tpu.core_type = #tpu.core_type<tc>, window_params = [{transform_indices = @transform_0, window_bounds = array<i64: 256, 128>}, {transform_indices = @transform_1, window_bounds = array<i64: 256, 1>}, {transform_indices = @transform_2, window_bounds = array<i64: 256, 1>}, {transform_indices = @transform_3, window_bounds = array<i64: 256, 128>}, {transform_indices = @transform_4, window_bounds = array<i64: 256, 128>}, {transform_indices = @transform_5, window_bounds = array<i64: 256, 1>}]} {
    %get3A = arith.constant 0 : index
    %get3A_0 = arith.constant 0 : index
    %get3A_1 = vector.load %arg2[%get3A, %get3A_0] : memref<256x1xf32, #tpu.memory_space<vmem>>, vector<256x1xf32>
    %get3A_2 = arith.constant 0 : index
    %get3A_3 = arith.constant 0 : index
    %get3A_4 = vector.load %arg3[%get3A_2, %get3A_3] : memref<256x1xf32, #tpu.memory_space<vmem>>, vector<256x1xf32>
    %add3A = arith.addf %get3A_1, %get3A_4 : vector<256x1xf32>
    %add3A_5 = arith.constant 1.000000e+00 : f32
    %add3A_6 = vector.broadcast %add3A_5 : f32 to vector<256x1xf32>
    %add3A_7 = arith.addf %add3A, %add3A_6 : vector<256x1xf32>
    %rsqrt3A = math.rsqrt %add3A_7 : vector<256x1xf32>
    %get3A_8 = arith.constant 0 : index
    %get3A_9 = arith.constant 0 : index
    %get3A_10 = vector.load %arg1[%get3A_8, %get3A_9] : memref<256x128xf32, #tpu.memory_space<vmem>>, vector<256x128xf32>
    %mul3A = vector.broadcast %rsqrt3A : vector<256x1xf32> to vector<256x128xf32>
    %mul3A_11 = arith.mulf %get3A_10, %mul3A : vector<256x128xf32>
    %swap3A = arith.constant 0 : index
    %swap3A_12 = arith.constant 0 : index
    %swap3A_13 = vector.load %arg4[%swap3A, %swap3A_12] : memref<256x128xf32, #tpu.memory_space<vmem>>, vector<256x128xf32>
    tpu.vector_store %arg4[%swap3A, %swap3A_12], %mul3A_11 {strides = array<i32>} : memref<256x128xf32, #tpu.memory_space<vmem>>, vector<256x128xf32>,
    %mul3A_14 = vector.broadcast %rsqrt3A : vector<256x1xf32> to vector<256x128xf32>
    %mul3A_15 = arith.mulf %mul3A_11, %mul3A_14 : vector<256x128xf32>
    %swap3A_16 = arith.constant 0 : index
    %swap3A_17 = arith.constant 0 : index
    %swap3A_18 = vector.load %arg5[%swap3A_16, %swap3A_17] : memref<256x128xf32, #tpu.memory_space<vmem>>, vector<256x128xf32>
    tpu.vector_store %arg5[%swap3A_16, %swap3A_17], %mul3A_15 {strides = array<i32>} : memref<256x128xf32, #tpu.memory_space<vmem>>, vector<256x128xf32>,
    %swap3A_19 = arith.constant 0 : index
    %swap3A_20 = arith.constant 0 : index
    %swap3A_21 = vector.load %arg6[%swap3A_19, %swap3A_20] : memref<256x1xf32, #tpu.memory_space<vmem>>, vector<256x1xf32>
    tpu.vector_store %arg6[%swap3A_19, %swap3A_20], %rsqrt3A {strides = array<i32>} : memref<256x1xf32, #tpu.memory_space<vmem>>, vector<256x1xf32>,
    return
  }
  func.func @transform_0(%arg0: i32) -> (i32, i32) {
    %c0_i32 = arith.constant 0 : i32
    %c0_i32_0 = arith.constant 0 : i32
    return %arg0, %c0_i32 : i32, i32
  }
  func.func @transform_1(%arg0: i32) -> (i32, i32) {
    %c0_i32 = arith.constant 0 : i32
    %c0_i32_0 = arith.constant 0 : i32
    return %arg0, %c0_i32 : i32, i32
  }
  func.func @transform_2(%arg0: i32) -> (i32, i32) {
    %c0_i32 = arith.constant 0 : i32
    %c0_i32_0 = arith.constant 0 : i32
    return %arg0, %c0_i32 : i32, i32
  }
  func.func @transform_3(%arg0: i32) -> (i32, i32) {
    %c0_i32 = arith.constant 0 : i32
    %c0_i32_0 = arith.constant 0 : i32
    return %arg0, %c0_i32 : i32, i32
  }
  func.func @transform_4(%arg0: i32) -> (i32, i32) {
    %c0_i32 = arith.constant 0 : i32
    %c0_i32_0 = arith.constant 0 : i32
    return %arg0, %c0_i32 : i32, i32
  }
  func.func @transform_5(%arg0: i32) -> (i32, i32) {
    %c0_i32 = arith.constant 0 : i32
    %c0_i32_0 = arith.constant 0 : i32
    return %arg0, %c0_i32 : i32, i32
  }
}

module attributes {stable_mosaic.version = 14 : i64} {
  func.func @_out_body(%arg0: i32, %arg1: memref<256x128xf32, #tpu.memory_space<vmem>>, %arg2: memref<256x128xf32, #tpu.memory_space<vmem>>, %arg3: memref<256x128xf32, #tpu.memory_space<vmem>>, %arg4: memref<256x1xf32, #tpu.memory_space<vmem>>, %arg5: memref<128x128xf32, #tpu.memory_space<vmem>>, %arg6: memref<1x128xf32, #tpu.memory_space<vmem>>, %arg7: memref<256x128xf32, #tpu.memory_space<vmem>>) attributes {dimension_semantics = [#tpu.dimension_semantics<arbitrary>], iteration_bounds = array<i64: 40>, scalar_prefetch = 0 : i64, scratch_operands = 0 : i64, tpu.core_type = #tpu.core_type<tc>, window_params = [{transform_indices = @transform_0, window_bounds = array<i64: 256, 128>}, {transform_indices = @transform_1, window_bounds = array<i64: 256, 128>}, {transform_indices = @transform_2, window_bounds = array<i64: 256, 128>}, {transform_indices = @transform_3, window_bounds = array<i64: 256, 1>}, {pipeline_mode = #tpu.pipeline_mode<synchronous>, transform_indices = @transform_4, window_bounds = array<i64: 128, 128>}, {pipeline_mode = #tpu.pipeline_mode<synchronous>, transform_indices = @transform_5, window_bounds = array<i64: 1, 128>}, {transform_indices = @transform_6, window_bounds = array<i64: 256, 128>}]} {
    %get3A = arith.constant 0 : index
    %get3A_0 = arith.constant 0 : index
    %get3A_1 = vector.load %arg1[%get3A, %get3A_0] : memref<256x128xf32, #tpu.memory_space<vmem>>, vector<256x128xf32>
    %get3A_2 = arith.constant 0 : index
    %get3A_3 = arith.constant 0 : index
    %get3A_4 = vector.load %arg2[%get3A_2, %get3A_3] : memref<256x128xf32, #tpu.memory_space<vmem>>, vector<256x128xf32>
    %add3A = arith.addf %get3A_1, %get3A_4 : vector<256x128xf32>
    %get3A_5 = arith.constant 0 : index
    %get3A_6 = arith.constant 0 : index
    %get3A_7 = vector.load %arg4[%get3A_5, %get3A_6] : memref<256x1xf32, #tpu.memory_space<vmem>>, vector<256x1xf32>
    %mul3A = vector.broadcast %get3A_7 : vector<256x1xf32> to vector<256x128xf32>
    %mul3A_8 = arith.mulf %add3A, %mul3A : vector<256x128xf32>
    %get3A_9 = arith.constant 0 : index
    %get3A_10 = arith.constant 0 : index
    %get3A_11 = vector.load %arg3[%get3A_9, %get3A_10] : memref<256x128xf32, #tpu.memory_space<vmem>>, vector<256x128xf32>
    %add3A_12 = arith.addf %mul3A_8, %get3A_11 : vector<256x128xf32>
    %get3A_13 = arith.constant 0 : index
    %get3A_14 = arith.constant 0 : index
    %get3A_15 = vector.load %arg5[%get3A_13, %get3A_14] : memref<128x128xf32, #tpu.memory_space<vmem>>, vector<128x128xf32>
    %dot_general3A = arith.constant dense<0.000000e+00> : vector<256x128xf32>
    %dot_general3A_16 = tpu.matmul %add3A_12, %get3A_15, %dot_general3A {dimension_numbers = #tpu.dot_dimension_numbers<[1], [0], [0], [1], [0, 0, 1, 1], [], []>, transpose_lhs_hint = false} : vector<256x128xf32>, vector<128x128xf32>, vector<256x128xf32> -> vector<256x128xf32>
    %get3A_17 = arith.constant 0 : index
    %get3A_18 = arith.constant 0 : index
    %get3A_19 = vector.load %arg6[%get3A_17, %get3A_18] : memref<1x128xf32, #tpu.memory_space<vmem>>, vector<1x128xf32>
    %add3A_20 = vector.broadcast %get3A_19 : vector<1x128xf32> to vector<256x128xf32>
    %add3A_21 = arith.addf %dot_general3A_16, %add3A_20 : vector<256x128xf32>
    %swap3A = arith.constant 0 : index
    %swap3A_22 = arith.constant 0 : index
    %swap3A_23 = vector.load %arg7[%swap3A, %swap3A_22] : memref<256x128xf32, #tpu.memory_space<vmem>>, vector<256x128xf32>
    tpu.vector_store %arg7[%swap3A, %swap3A_22], %add3A_21 {strides = array<i32>} : memref<256x128xf32, #tpu.memory_space<vmem>>, vector<256x128xf32>,
    return
  }
  func.func @transform_0(%arg0: i32) -> (i32, i32) {
    %c0_i32 = arith.constant 0 : i32
    %c0_i32_0 = arith.constant 0 : i32
    return %arg0, %c0_i32 : i32, i32
  }
  func.func @transform_1(%arg0: i32) -> (i32, i32) {
    %c0_i32 = arith.constant 0 : i32
    %c0_i32_0 = arith.constant 0 : i32
    return %arg0, %c0_i32 : i32, i32
  }
  func.func @transform_2(%arg0: i32) -> (i32, i32) {
    %c0_i32 = arith.constant 0 : i32
    %c0_i32_0 = arith.constant 0 : i32
    return %arg0, %c0_i32 : i32, i32
  }
  func.func @transform_3(%arg0: i32) -> (i32, i32) {
    %c0_i32 = arith.constant 0 : i32
    %c0_i32_0 = arith.constant 0 : i32
    return %arg0, %c0_i32 : i32, i32
  }
  func.func @transform_4(%arg0: i32) -> (i32, i32) {
    %c0_i32 = arith.constant 0 : i32
    %c0_i32_0 = arith.constant 0 : i32
    %c0_i32_1 = arith.constant 0 : i32
    return %c0_i32, %c0_i32_0 : i32, i32
  }
  func.func @transform_5(%arg0: i32) -> (i32, i32) {
    %c0_i32 = arith.constant 0 : i32
    %c0_i32_0 = arith.constant 0 : i32
    %c0_i32_1 = arith.constant 0 : i32
    return %c0_i32, %c0_i32_0 : i32, i32
  }
  func.func @transform_6(%arg0: i32) -> (i32, i32) {
    %c0_i32 = arith.constant 0 : i32
    %c0_i32_0 = arith.constant 0 : i32
    return %arg0, %c0_i32 : i32, i32
  }
}

</mosaic_0001>

<sc_bundles>
// kernel: kernel.6.cloned.1.call-start
scs
__scs_entry_jumppad:
0x0: {  	(pc) =	sbr.rel $0x88, $3  }
0x1: {  	(tag) =	ssettag $0x0;
	lr =	simm.s32 $0x1  }
0x2: {  	[smem:$0x3F9D] =	sst lr;
	_ =	strace $0xD0000000  }
0x3: {  	_ = 	snop  }
0x4: {  	_ = 	snop  }
0x5: {  	_ = 	snop  }
0x6: {  	_ = 	snop  }
0x7: {  	_ = 	snop  }
__scs_overlays_trampoline_lowered:
0x8: {  	[smem:$0x3FAC] =	sst s0  }
0x9: {  	[smem:$0x3FAD] =	sst s1  }
0xa: {  	[smem:$0x3FAE] =	sst s2  }
0xb: {  	[smem:$0x3FAF] =	sst s3  }
0xc: {  	[smem:$0x3FB0] =	sst s4  }
0xd: {  	[smem:$0x3FB1] =	sst s5  }
0xe: {  	[smem:$0x3FB2] =	sst s6  }
0xf: {  	[smem:$0x3FB3] =	sst s7  }
0x10: {  	[smem:$0x3FB4] =	sst s8  }
0x11: {  	[smem:$0x3FB5] =	sst s9;
	s0 =	simm.s32 @!p0 $0x0  }
0x12: {  	s1 =	sld [smem:$0x3F9B];
	s0 =	simm.s32 @p0 $0x1  }
0x13: {  	[smem:$0x3FB6] =	sst s0;
	s0 =	simm.s32 @!p1 $0x0  }
0x14: {  	s2 =	sld [smem:$0x3F9A];
	s0 =	simm.s32 @p1 $0x1  }
0x15: {  	[smem:$0x3FB7] =	sst s0;
	s0 =	simm.s32 @!p2 $0x0  }
0x16: {  	s3 =	sld [smem:$0x3FDB];
	s0 =	simm.s32 @p2 $0x1  }
0x17: {  	s4 =	simm.s32 $0x1BF5;
	[smem:$0x3FB9] =	sst s0  }
0x18: {  	s0 =	sld [smem:$0x3F9C];
	_ =	swait.ge [sflag:s4], $0x0  }
0x19: {  	s7 =	sld [smem:$0x3F9D]  }
0x1a: {  	s8 =	sadd.s32 $0xFFFFE003, lr  }
0x1b: {  	s9 =	sadd.s32 $0xFFFFFEF7, lr;
	s5 =	simm.s32 $0xFFFFFFFF;
	p2 =	slt.u32 s8, $0xFFFFF086  }
0x1c: {  	p1 =	slt.u32 s9, $0xF7A;
	s5 =	simm.s32 @!p2 $0x0  }
0x1d: {  	s5 =	simm.s32 @p1 $0x1;
	p0 =	seq.s32 s7, s2  }
0x1e: {  	s7 =	smul.u32 @!p0 $0xF7A, s2;
	p2 =	seq.s32 @!p0 s5, $0x0  }
0x1f: {  	s9 =	smul.u32 $0xF7A, s1;
	s8 =	simm.s32 @!p0 $0x1BF5;
	p2 =	por !p2, p0  }
0x20: {  	[sflag:s8] =	ssyncset.s32 @!p0 $0xFFFFF086;
	s6 =	sadd.s32 @!p0 s3, s7;
	s7 =	simm.s32 @!p0 $0x108  }
0x21: {  	s3 =	sadd.s32 s3, s9;
	s6 =	sadd.s32 @!p0 $0x88, s6;
	s7 =	simm.s32 @p2 $0x1082  }
0x22: {  	[simem:s7], [sflag:s8] =	dma.local @!p0 [hbm:s6], $0xF7A  }
0x23: {  	s9 =	sor.u32 $0xD0000000, s2;
	s6 =	simm.s32 $0x108;
	_ =	swait.ge @!p0 [sflag:s8], $0x0  }
0x24: {  	s3 =	sadd.s32 $0x88, s3;
	s6 =	simm.s32 @!p1 $0x1082;
	[sflag:s4] =	ssyncset.s32 $0xFFFFF086  }
0x25: {  	[simem:s6], [sflag:s4] =	dma.local [hbm:s3], $0xF7A  }
0x26: {  	[smem:$0x3F9D] =	sst s1;
	(tag) =	ssettag s2;
	_ =	strace s9  }
0x27: {  	s1 =	sld [smem:$0x3FAD]  }
0x28: {  	s2 =	sld [smem:$0x3FAE]  }
0x29: {  	s4 =	sld [smem:$0x3FB0]  }
0x2a: {  	p0 =	seq.s32 s5, $0x0;
	s5 =	sld [smem:$0x3FB1]  }
0x2b: {  	s6 =	sld [smem:$0x3FB2]  }
0x2c: {  	s7 =	sld [smem:$0x3FB3]  }
0x2d: {  	s3 =	simm.s32 $0x108;
	s8 =	sld [smem:$0x3FB4]  }
0x2e: {  	s3 =	simm.s32 @!p0 $0x1082;
	s9 =	sld [smem:$0x3FB5]  }
0x2f: {  	lr =	sadd.s32 s0, s3;
	s0 =	sld [smem:$0x3FAC]  }
0x30: {  	s3 =	sld [smem:$0x3FAF]  }
0x31: {  	[smem:$0x3FB8] =	sst s10  }
0x32: {  	s10 =	sld [smem:$0x3FB6];
	_ =	sdelay $0x3  }
0x33: {  	p0 =	seq.s32 s10, $0x1;
	s10 =	sld [smem:$0x3FB8];
	_ =	sdelay $0x3  }
0x34: {  	[smem:$0x3FB8] =	sst s10  }
0x35: {  	s10 =	sld [smem:$0x3FB7];
	_ =	sdelay $0x3  }
0x36: {  	p1 =	seq.s32 s10, $0x1;
	s10 =	sld [smem:$0x3FB8];
	_ =	sdelay $0x3  }
0x37: {  	[smem:$0x3FB8] =	sst s10  }
0x38: {  	s10 =	sld [smem:$0x3FB9]  }
0x39: {  	_ = 	snop;
	(pc) =	sbr.ind lr, $3  }
0x3a: {  	_ = 	snop  }
0x3b: {  	_ = 	snop  }
0x3c: {  	p2 =	seq.s32 s10, $0x1;
	s10 =	sld [smem:$0x3FB8]  }
0x3d: {  	_ =	shalt  }
0x3e: {  	_ =	shalt  }
0x3f: {  	_ =	shalt  }
0x40: {  	_ =	shalt  }
0x41: {  	_ =	shalt  }
0x42: {  	_ =	shalt  }
0x43: {  	_ =	shalt  }
0x44: {  	_ =	shalt  }
0x45: {  	_ =	shalt  }
0x46: {  	_ =	shalt  }
0x47: {  	_ =	shalt  }
0x48: {  	_ =	shalt  }
0x49: {  	_ =	shalt  }
0x4a: {  	_ =	shalt  }
0x4b: {  	_ =	shalt  }
0x4c: {  	_ =	shalt  }
0x4d: {  	_ =	shalt  }
0x4e: {  	_ =	shalt  }
0x4f: {  	_ =	shalt  }
0x50: {  	_ =	shalt  }
0x51: {  	_ =	shalt  }
0x52: {  	_ =	shalt  }
0x53: {  	_ =	shalt  }
0x54: {  	_ =	shalt  }
0x55: {  	_ =	shalt  }
0x56: {  	_ =	shalt  }
0x57: {  	_ =	shalt  }
0x58: {  	_ =	shalt  }
0x59: {  	_ =	shalt  }
0x5a: {  	_ =	shalt  }
0x5b: {  	_ =	shalt  }
0x5c: {  	_ =	shalt  }
0x5d: {  	_ =	shalt  }
0x5e: {  	_ =	shalt  }
0x5f: {  	_ =	shalt  }
0x60: {  	_ =	shalt  }
0x61: {  	_ =	shalt  }
0x62: {  	_ =	shalt  }
0x63: {  	_ =	shalt  }
0x64: {  	_ =	shalt  }
0x65: {  	_ =	shalt  }
0x66: {  	_ =	shalt  }
0x67: {  	_ =	shalt  }
0x68: {  	_ =	shalt  }
0x69: {  	_ =	shalt  }
0x6a: {  	_ =	shalt  }
0x6b: {  	_ =	shalt  }
0x6c: {  	_ =	shalt  }
0x6d: {  	_ =	shalt  }
0x6e: {  	_ =	shalt  }
0x6f: {  	_ =	shalt  }
0x70: {  	_ =	shalt  }
0x71: {  	_ =	shalt  }
0x72: {  	_ =	shalt  }
0x73: {  	_ =	shalt  }
0x74: {  	_ =	shalt  }
0x75: {  	_ =	shalt  }
0x76: {  	_ =	shalt  }
0x77: {  	_ =	shalt  }
0x78: {  	_ =	shalt  }
0x79: {  	_ =	shalt  }
0x7a: {  	_ =	shalt  }
0x7b: {  	_ =	shalt  }
0x7c: {  	_ =	shalt  }
0x7d: {  	_ =	shalt  }
0x7e: {  	_ =	shalt  }
0x7f: {  	_ =	shalt  }
0x80: {  	_ =	shalt  }
0x81: {  	_ =	shalt  }
0x82: {  	_ =	shalt  }
0x83: {  	_ =	shalt  }
0x84: {  	_ =	shalt  }
0x85: {  	_ =	shalt  }
0x86: {  	_ =	shalt  }
0x87: {  	_ =	shalt  }
.Lfunc_end0:
.L_simem_size_0:
called_computation_lowered:
.L_overlay_start_0:
0x88: {  	s2 =	sld [smem:$0x3FD9]  }
0x89: {  	s3 =	sld [smem:$0x3FFE];
	_ =	sdelay $0x1  }
0x8a: {  	s1 =	srdreg.scid  }
0x8b: {  	s0 =	sand.u32 $0x1, s1  }
0x8c: {  	s16 =	sshll.u32 s0, $0xA;
	s2 =	sadd.s32 s3, s2  }
0x8d: {  	s2 =	sadd.s32 s2, s16  }
0x8e: {  	[smem:$0x3FC4] =	sst s2  }
0x8f: {  	_ = 	snop  }
0x90: {  	(tm) =	ssettm $0x1  }
0x91: {  	s17 =	sld [smem:$0x3FFB];
	_ =	sdelay $0x3  }
0x92: {  	_ =	strace s17  }
0x93: {  	s2 =	sld [smem:$0x3FFC];
	_ =	sdelay $0x3  }
0x94: {  	_ =	strace s2  }
0x95: {  	s2 =	sld [smem:$0x3FFD];
	_ =	sdelay $0x3  }
0x96: {  	_ =	strace s2  }
0x97: {  	_ =	strace $0x8FFFFFFF  }
0x98: {  	s18 =	sld [smem:$0x3FDB];
	_ =	sdelay $0x1  }
0x99: {  	s19 =	simm.s32 $_scs_section_size  }
0x9a: {  	s4 =	simm.s32 $_size__tile_overlayer_lowered;
	s5 =	simm.s32 $_tile_overlayer_lowered  }
0x9b: {  	s22 =	simm.s32 $0x1BFF;
	s21 =	sshll.u32 s5, $0x1;
	s2 =	sadd.s32 s19, s18  }
0x9c: {  	s6 =	simm.s32 $0x0;
	s20 =	sshll.u32 s4, $0x1;
	s4 =	sadd.s32 s21, s2  }
0x9d: {  	[timem:s6], [sflag:s22] =	dma.local [hbm:s4], s20  }
0x9e: {  	_ =	swait.ge [sflag:s22], s20  }
0x9f: {  	s3 =	ssub.s32 $0x0, s20;
	[sflag:s22] =	ssyncset.done $0x0  }
0xa0: {  	[sflag:s22] =	ssyncadd.s32 s3;
	_ =	sdelay $0x1  }
0xa1: {  	s23 =	simm.s32 $0x1B8B  }
0xa2: {  	_ =	swait.ge [sflag:s23], $0x1  }
0xa3: {  	[sflag:s23] =	ssyncset.done $0x0  }
0xa4: {  	s25 =	simm.s32 $0x1B8E;
	s24 =	sld [smem:$0x3FFE];
	[sflag:s23] =	ssyncadd.s32 $0xFFFFFFFF  }
0xa5: {  	s26 =	simm.s32 $execute0_lowered;
	[smem:$0x3FD2] =	sst s25  }
0xa6: {  	s4 =	sshll.u32 s26, $0x1;
	_ =	strace $0x80000046;
	[dreg:$0x1] =	wrdreg $0xFFFFFFFF  }
0xa7: {  	s28 =	simm.s32 $_size_execute0_lowered;
	s2 =	sadd.s32 s2, s4;
	[dreg:$0x0] =	wrdreg $0x0  }
0xa8: {  	s4 =	sshll.u32 s28, $0x1;
	[dreg:$0x2] =	wrdreg s2  }
0xa9: {  	[dreg:$0x3] =	wrdreg s4  }
0xaa: {  	[dreg:$0x4] =	wrdreg $0xC0  }
0xab: {  	_ =	task [dreg:s6], $0x5FFFF  }
0xac: {  	[dreg:$0x1] =	wrdreg $0xFFFFFFFF  }
0xad: {  	[dreg:$0x0] =	wrdreg $0x60  }
0xae: {  	[dreg:$0x2] =	wrdreg s24  }
0xaf: {  	[dreg:$0x3] =	wrdreg $0x4000  }
0xb0: {  	[dreg:$0x4] =	wrdreg $0x9  }
0xb1: {  	_ =	task.clear_ibuf [dreg:s6], $0x5FFFF;
	_ =	strace $0x90000046  }
0xb2: {  	s29 =	simm.s32 $0x9;
	_ =	strace $0x80000048  }
0xb3: {  	_ =	swait.ge [sflag:s29], $0x1  }
0xb4: {  	[sflag:s29] =	ssyncadd.s32 $0xFFFFFFFF  }
0xb5: {  	_ =	strace $0x90000048  }
0xb6: {  	_ =	sfence  }
0xb7: {  	s30 =	sld [smem:$0x0];
	_ =	sdelay $0x2  }
0xb8: {  	s31 =	sshll.u32 s1, $0xD;
	s1 =	sshrl.u32 s1, $0x2  }
0xb9: {  	s3 =	sand.u32 $0x4000, s31;
	s1 =	sadd.s32 s1, s30  }
0xba: {  	s0 =	sor.u32 s3, s0;
	s1 =	sshll.u32 s1, $0x11  }
0xbb: {  	s0 =	sor.u32 s1, s0  }
0xbc: {  	s0 =	sadd.s32 $0x8F2B, s0  }
0xbd: {  	[sflag:s0] =	ssyncadd.remote.s32 $0x1  }
0xbe: {  	_ =	sfence.sel $0xFFFF  }
0xbf: {  	[dreg:$0x0] =	wrdreg $0xFFFFFFFF;
	(pc) =	sbr.abs _section_cstart, $3  }
0xc0: {  	[dreg:$0x1] =	wrdreg $0xFFFFFFFF  }
0xc1: {  	_ =	task.clear_ibuf [dreg:s6], $0x2FFFF;
	_ =	strace $0x9FFFFFFF  }
0xc2: {  	(tm) =	ssettm $0x7FFFFFFF  }
0xc3: {  	_ =	shalt  }
tec
execute0_lowered:
.L_overlay_start_1:
0x0: {  	(tag) =	ssettag $0x1  }
0x1: {  	s4 =	rddreg [dreg:$0x0]  }
0x2: {  	s2 =	rddreg [dreg:$0x1]  }
0x3: {  	s0 =	rddreg [dreg:$0x2];
	s5 =	srdreg.scid  }
0x4: {  	s3 =	simm.s32 $0x0;
	s1 =	stileid.u32;
	s13 =	simm.s32 $0x100  }
0x5: {  	s14 =	simm.s32 $0x1;
	s15 =	simm.s32 $0x2;
	s18 =	simm.s32 $0x20  }
0x6: {  	s19 =	simm.s32 $0x10;
	s20 =	simm.s32 $0x0;
	s6 =	smul.u32 $0x500, s1  }
0x7: {  	s5 =	sand.u32 $0x1, s5;
	[smem:$0x7FF] =	sst s3;
	s8 =	smul.u32 $0xA00, s1  }
0x8: {  	s9 =	sadd.s32 $0x1600, s4;
	s12 =	smul.u32 $0x2780, s1;
	s16 =	sshll.u32 s1, $0x6  }
0x9: {  	s7 =	sshll.u32 s5, $0x4;
	_ =	strace $0x80000047;
	s10 =	sshll.u32 s5, $0x7  }
0xa: {  	s24 =	ssub.s32 $0x2, s5;
	s5 =	smul.u32 $0x27800, s5;
	s16 =	sor.u32 $0x1C03, s16  }
0xb: {  	s7 =	sor.u32 s1, s7;
	s6 =	sor.u32 s10, s6;
	s11 =	sshrl.u32 s24, $0x1  }
0xc: {  	s26 =	sshrl.u32 s8, $0x2;
	s7 =	smul.u32 $0x2780, s7;
	s6 =	sshrl.u32 s6, $0x3  }
0xd: {  	s10 =	ssub.s32 s24, s11;
	s29 =	sadd.s32 s12, s5;
	s12 =	simm.s32 $0x80  }
0xe: {  	s6 =	sadd.s32 s6, s4;
	s4 =	sadd.s32 s26, s2;
	s30 =	sadd.s32 $0x80, s29  }
0xf: {  	s11 =	sshrl.u32 s29, $0x3;
	s25 =	sshrl.u32 s7, $0x3;
	s6 =	sadd.s32 $0xB400, s6  }
0x10: {  	s31 =	sshrl.u32 s30, $0x3;
	s7 =	smax.u32 s10, $0x1;
	s10 =	simm.s32 $0x180  }
0x11: {  	s17 =	sshrl.u32 s4, $0x3;
	s28 =	sadd.s32 s9, s25;
	s8 =	sadd.s32 s31, s9  }
0x12: {  	v0 =	vimm.f32 $1.000000000e+00;
	v1 =	vimm.s32 $0x2710;
	v2 =	vimm.f32 $0.0e+00;
	s9 =	sadd.s32 s11, s9;
	s11 =	simm.s32 $0x3;
	s5 =	sadd.s32 $0x4E0, s28  }
.LBB2_1:
0x13: {  	[tilespmem:$0x100] =	vst v0  }
0x14: {  	[tilespmem:$0x0] =	vst v1  }
0x15: {  	[tilespmem:$0x80] =	vst v1  }
0x16: {  	[tilespmem:$0x110] =	vst v0  }
0x17: {  	[tilespmem:$0x10] =	vst v1  }
0x18: {  	[tilespmem:$0x90] =	vst v1  }
0x19: {  	[tilespmem:$0x120] =	vst v0  }
0x1a: {  	[tilespmem:$0x20] =	vst v1  }
0x1b: {  	[tilespmem:$0xA0] =	vst v1  }
0x1c: {  	[tilespmem:$0x130] =	vst v0  }
0x1d: {  	[tilespmem:$0x30] =	vst v1  }
0x1e: {  	[tilespmem:$0xB0] =	vst v1  }
0x1f: {  	[tilespmem:$0x140] =	vst v0  }
0x20: {  	[tilespmem:$0x40] =	vst v1  }
0x21: {  	[tilespmem:$0xC0] =	vst v1  }
0x22: {  	[tilespmem:$0x150] =	vst v0  }
0x23: {  	[tilespmem:$0x50] =	vst v1  }
0x24: {  	[tilespmem:$0xD0] =	vst v1  }
0x25: {  	[tilespmem:$0x160] =	vst v0  }
0x26: {  	[tilespmem:$0x60] =	vst v1  }
0x27: {  	[tilespmem:$0xE0] =	vst v1  }
0x28: {  	[tilespmem:$0x170] =	vst v0  }
0x29: {  	[tilespmem:$0x70] =	vst v1  }
0x2a: {  	[tilespmem:$0xF0] =	vst v1  }
0x2b: {  	[tilespmem:$0x180] =	vst v2  }
0x2c: {  	[tilespmem:$0x190] =	vst v2  }
0x2d: {  	[tilespmem:$0x1A0] =	vst v2  }
0x2e: {  	[tilespmem:$0x1B0] =	vst v2  }
0x2f: {  	[tilespmem:$0x1C0] =	vst v2  }
0x30: {  	[tilespmem:$0x1D0] =	vst v2  }
0x31: {  	[tilespmem:$0x1E0] =	vst v2  }
0x32: {  	[tilespmem:$0x1F0] =	vst v2  }
0x33: {  	[tilespmem:$0x200] =	vst v2  }
0x34: {  	[tilespmem:$0x210] =	vst v2  }
0x35: {  	[tilespmem:$0x220] =	vst v2  }
0x36: {  	[tilespmem:$0x230] =	vst v2  }
0x37: {  	[tilespmem:$0x240] =	vst v2  }
0x38: {  	[tilespmem:$0x250] =	vst v2  }
0x39: {  	[tilespmem:$0x260] =	vst v2  }
0x3a: {  	[tilespmem:$0x270] =	vst v2  }
0x3b: {  	[tilespmem:$0x280] =	vst v2  }
0x3c: {  	[tilespmem:$0x290] =	vst v2  }
0x3d: {  	[tilespmem:$0x2A0] =	vst v2  }
0x3e: {  	[tilespmem:$0x2B0] =	vst v2  }
0x3f: {  	[tilespmem:$0x2C0] =	vst v2  }
0x40: {  	[tilespmem:$0x2D0] =	vst v2  }
0x41: {  	[tilespmem:$0x2E0] =	vst v2  }
0x42: {  	[tilespmem:$0x2F0] =	vst v2  }
0x43: {  	[tilespmem:$0x300] =	vst v2  }
0x44: {  	[tilespmem:$0x310] =	vst v2  }
0x45: {  	[tilespmem:$0x320] =	vst v2  }
0x46: {  	[tilespmem:$0x330] =	vst v2  }
0x47: {  	[tilespmem:$0x340] =	vst v2  }
0x48: {  	[tilespmem:$0x350] =	vst v2  }
0x49: {  	[tilespmem:$0x360] =	vst v2  }
0x4a: {  	[tilespmem:$0x370] =	vst v2  }
0x4b: {  	[tilespmem:$0x380] =	vst v2  }
0x4c: {  	[tilespmem:$0x390] =	vst v2  }
0x4d: {  	[tilespmem:$0x3A0] =	vst v2  }
0x4e: {  	[tilespmem:$0x3B0] =	vst v2  }
0x4f: {  	[tilespmem:$0x3C0] =	vst v2  }
0x50: {  	[tilespmem:$0x3D0] =	vst v2  }
0x51: {  	[tilespmem:$0x3E0] =	vst v2  }
0x52: {  	[tilespmem:$0x3F0] =	vst v2  }
0x53: {  	[spmem:s4] =	stream.linear.scatter [tilespmem:s10], [sflag:$0x3], $0x280, $0x38;
	[tilespmem:$0x680] =	vst v63  }
0x54: {  	_ =	swait.ge [sflag:s11], $0x280  }
0x55: {  	[sflag:s11] =	ssyncset.done $0x0  }
0x56: {  	[sflag:s11] =	ssyncadd.s32 $0xFFFFFD80  }
0x57: {  	[bflag:$0x0] =	sbarrier.arrive $0xFFFF  }
0x58: {  	[spmem:s2] =	stream.indirect.scatter.add.f32 [tilespmem:s13], [sflag:$0x1], $0x1, s3, s12, $0xb8;
	[tilespmem:$0x680] =	vst v63  }
0x59: {  	_ = 	snop  }
0x5a: {  	[spmem:s2] =	stream.indirect.scatter.add.f32 [tilespmem:s13], [sflag:$0x2], $0x1, s12, s12, $0xb8;
	[tilespmem:$0x680] =	vst v63  }
0x5b: {  	_ =	swait.ge [sflag:s14], $0x80  }
0x5c: {  	[sflag:s14] =	ssyncset.done $0x0  }
0x5d: {  	s21 =	sadd.s32 $0x0, s9;
	[sflag:s14] =	ssyncadd.s32 $0xFFFFFF80  }
0x5e: {  	[tilespmem:s3], [sflag:$0x3] =	stream.linear.gather [hbm4b:s21+s3], $0x80, $0x38;
	[tilespmem:$0x680] =	vst v63  }
0x5f: {  	_ =	swait.ge [sflag:s11], $0x80  }
0x60: {  	[sflag:s11] =	ssyncset.done $0x0  }
0x61: {  	[sflag:s11] =	ssyncadd.s32 $0xFFFFFF80  }
0x62: {  	[spmem:s2] =	stream.indirect.scatter.add.f32 [tilespmem:s13], [sflag:$0x1], $0x1, s3, s12, $0xb8;
	[tilespmem:$0x680] =	vst v63  }
0x63: {  	_ =	swait.ge [sflag:s15], $0x80  }
0x64: {  	[sflag:s15] =	ssyncset.done $0x0  }
0x65: {  	s31 =	sadd.s32 $0x0, s8;
	[sflag:s15] =	ssyncadd.s32 $0xFFFFFF80  }
0x66: {  	[tilespmem:s12], [sflag:$0x3] =	stream.linear.gather [hbm4b:s31+s3], $0x80, $0x38;
	[tilespmem:$0x680] =	vst v63  }
0x67: {  	_ =	swait.ge [sflag:s11], $0x80  }
0x68: {  	[sflag:s11] =	ssyncset.done $0x0  }
0x69: {  	s21 =	simm.s32 $0x20;
	[sflag:s11] =	ssyncadd.s32 $0xFFFFFF80  }
.LBB2_2:
0x6a: {  	[spmem:s2] =	stream.indirect.scatter.add.f32 [tilespmem:s13], [sflag:$0x2], $0x1, s12, s12, $0xb8;
	[tilespmem:$0x680] =	vst v63  }
0x6b: {  	s22 =	smov.u32 s21  }
0x6c: {  	p0 =	sne.s32 s21, $0x4C0;
	s21 =	sadd.s32 $0x20, s21;
	_ =	swait.ge [sflag:s14], $0x80  }
0x6d: {  	[sflag:s14] =	ssyncset.done $0x0  }
0x6e: {  	s23 =	sadd.s32 s22, s9;
	[sflag:s14] =	ssyncadd.s32 $0xFFFFFF80  }
0x6f: {  	[tilespmem:s3], [sflag:$0x3] =	stream.linear.gather [hbm4b:s23+s3], $0x80, $0x38;
	[tilespmem:$0x680] =	vst v63  }
0x70: {  	_ =	swait.ge [sflag:s11], $0x80  }
0x71: {  	[sflag:s11] =	ssyncset.done $0x0  }
0x72: {  	[sflag:s11] =	ssyncadd.s32 $0xFFFFFF80  }
0x73: {  	[spmem:s2] =	stream.indirect.scatter.add.f32 [tilespmem:s13], [sflag:$0x1], $0x1, s3, s12, $0xb8;
	[tilespmem:$0x680] =	vst v63  }
0x74: {  	_ =	swait.ge [sflag:s15], $0x80  }
0x75: {  	[sflag:s15] =	ssyncset.done $0x0  }
.Ltmp0:
0x76: {  	s22 =	sadd.s32 s22, s8;
	[sflag:s15] =	ssyncadd.s32 $0xFFFFFF80;
	(pc) =	sbr.rel @p0 .LBB2_2-.Ltmp0, $4  }
0x77: {  	[tilespmem:s12], [sflag:$0x3] =	stream.linear.gather [hbm4b:s22+s3], $0x80, $0x38;
	[tilespmem:$0x680] =	vst v63  }
0x78: {  	_ =	swait.ge [sflag:s11], $0x80  }
0x79: {  	[sflag:s11] =	ssyncset.done $0x0  }
0x7a: {  	[sflag:s11] =	ssyncadd.s32 $0xFFFFFF80  }
0x7b: {  	[spmem:s2] =	stream.indirect.scatter.add.f32 [tilespmem:s13], [sflag:$0x2], $0x1, s12, s12, $0xb8;
	[tilespmem:$0x680] =	vst v63  }
0x7c: {  	_ =	swait.ge [sflag:s14], $0x80  }
0x7d: {  	[sflag:s14] =	ssyncset.done $0x0  }
0x7e: {  	[sflag:s14] =	ssyncadd.s32 $0xFFFFFF80  }
0x7f: {  	[tilespmem:s3], [sflag:$0x3] =	stream.linear.gather [hbm4b:s5+s3], $0x80, $0x38;
	[tilespmem:$0x680] =	vst v63  }
0x80: {  	_ =	swait.ge [sflag:s11], $0x80  }
0x81: {  	[sflag:s11] =	ssyncset.done $0x0  }
0x82: {  	[sflag:s11] =	ssyncadd.s32 $0xFFFFFF80  }
0x83: {  	[spmem:s2] =	stream.indirect.scatter.add.f32 [tilespmem:s13], [sflag:$0x1], $0x1, s3, s12, $0xb8;
	[tilespmem:$0x680] =	vst v63  }
0x84: {  	_ =	swait.ge [sflag:s14], $0x80  }
0x85: {  	[sflag:s14] =	ssyncset.done $0x0  }
0x86: {  	[sflag:s14] =	ssyncadd.s32 $0xFFFFFF80  }
0x87: {  	_ =	swait.ge [sflag:s15], $0x80  }
0x88: {  	s20 =	sadd.s32 $0x1, s20;
	[sflag:s15] =	ssyncset.done $0x0  }
0x89: {  	p0 =	sne.s32 s20, s7;
	[sflag:s15] =	ssyncadd.s32 $0xFFFFFF80  }
.Ltmp1:
0x8a: {  	[bflag:$0x0] =	sbarrier.arrive $0xFFFF;
	(pc) =	sbr.rel @p0 .LBB2_1-.Ltmp1, $4  }
0x8b: {  	[hbm:s6@s18], [sflag:s16] =	dma.strided [spmem:s17@s19], $0x50, s14, $0x10   }
0x8c: {  	_ =	swait.ge [sflag:s11], $0x50  }
0x8d: {  	[sflag:s11] =	ssyncset.done $0x0  }
0x8e: {  	[sflag:s11] =	ssyncadd.s32 $0xFFFFFFB0  }
0x8f: {  	_ =	sfence.sel $0x180000  }
0x90: {  	[bflag:$0x0] =	sbarrier.arrive $0xFFFF  }
0x91: {  	p0 =	sne.s32 s1, $0x0;
	_ =	strace $0x90000047  }
0x92: {  	s0 =	sadd.s32 @!p0 $0x100000, s0;
	[bflag:$0x2] =	sbarrier.arrive $0xFFFF  }
0x93: {  	[sflag:s0] =	ssyncadd.tile.s32 @!p0 $0x1;
	_ =	shalt  }
.Lfunc_end2:
_tile_overlayer_lowered:
.L_overlay_start_2:
0x94: {  	(tag) =	ssettag $0x2  }
0x95: {  	s0 =	rddreg [dreg:$0x0];
	s2 =	stileid.u32  }
0x96: {  	s1 =	rddreg [dreg:$0x1];
	p0 =	sne.s32 s2, $0x0  }
0x97: {  	s3 =	rddreg [dreg:$0x2];
	[bflag:$0x3] =	sbarrier.arrive $0xFFFF;
	s2 =	simm.s32 @!p0 $0x1C03  }
0x98: {  	[timem:s3], [sflag:s2] =	dma.local @!p0 [hbm:s0], s1  }
0x99: {  	s0 =	simm.s32 @!p0 $0x3  }
0x9a: {  	_ =	swait.ge @!p0 [sflag:s0], s1  }
0x9b: {  	s1 =	ssub.s32 @!p0 $0x0, s1;
	[sflag:s0] =	ssyncset.done @!p0 $0x0  }
0x9c: {  	[sflag:s0] =	ssyncadd.s32 @!p0 s1  }
0x9d: {  	[bflag:$0x3] =	sbarrier.arrive $0xFFFF  }
0x9e: {  	_ =	shalt  }

// kernel: kernel.9.cloned.1.call-start
scs
__scs_entry_jumppad:
0x0: {  	(pc) =	sbr.rel $0x88, $3  }
0x1: {  	(tag) =	ssettag $0x0;
	lr =	simm.s32 $0x1  }
0x2: {  	[smem:$0x3F9D] =	sst lr;
	_ =	strace $0xD0000000  }
0x3: {  	_ = 	snop  }
0x4: {  	_ = 	snop  }
0x5: {  	_ = 	snop  }
0x6: {  	_ = 	snop  }
0x7: {  	_ = 	snop  }
__scs_overlays_trampoline_lowered:
0x8: {  	[smem:$0x3FAC] =	sst s0  }
0x9: {  	[smem:$0x3FAD] =	sst s1  }
0xa: {  	[smem:$0x3FAE] =	sst s2  }
0xb: {  	[smem:$0x3FAF] =	sst s3  }
0xc: {  	[smem:$0x3FB0] =	sst s4  }
0xd: {  	[smem:$0x3FB1] =	sst s5  }
0xe: {  	[smem:$0x3FB2] =	sst s6  }
0xf: {  	[smem:$0x3FB3] =	sst s7  }
0x10: {  	[smem:$0x3FB4] =	sst s8  }
0x11: {  	[smem:$0x3FB5] =	sst s9;
	s0 =	simm.s32 @!p0 $0x0  }
0x12: {  	s1 =	sld [smem:$0x3F9B];
	s0 =	simm.s32 @p0 $0x1  }
0x13: {  	[smem:$0x3FB6] =	sst s0;
	s0 =	simm.s32 @!p1 $0x0  }
0x14: {  	s2 =	sld [smem:$0x3F9A];
	s0 =	simm.s32 @p1 $0x1  }
0x15: {  	[smem:$0x3FB7] =	sst s0;
	s0 =	simm.s32 @!p2 $0x0  }
0x16: {  	s3 =	sld [smem:$0x3FDB];
	s0 =	simm.s32 @p2 $0x1  }
0x17: {  	s4 =	simm.s32 $0x1BF5;
	[smem:$0x3FB9] =	sst s0  }
0x18: {  	s0 =	sld [smem:$0x3F9C];
	_ =	swait.ge [sflag:s4], $0x0  }
0x19: {  	s7 =	sld [smem:$0x3F9D]  }
0x1a: {  	s8 =	sadd.s32 $0xFFFFE003, lr  }
0x1b: {  	s9 =	sadd.s32 $0xFFFFFEF7, lr;
	s5 =	simm.s32 $0xFFFFFFFF;
	p2 =	slt.u32 s8, $0xFFFFF086  }
0x1c: {  	p1 =	slt.u32 s9, $0xF7A;
	s5 =	simm.s32 @!p2 $0x0  }
0x1d: {  	s5 =	simm.s32 @p1 $0x1;
	p0 =	seq.s32 s7, s2  }
0x1e: {  	s7 =	smul.u32 @!p0 $0xF7A, s2;
	p2 =	seq.s32 @!p0 s5, $0x0  }
0x1f: {  	s9 =	smul.u32 $0xF7A, s1;
	s8 =	simm.s32 @!p0 $0x1BF5;
	p2 =	por !p2, p0  }
0x20: {  	[sflag:s8] =	ssyncset.s32 @!p0 $0xFFFFF086;
	s6 =	sadd.s32 @!p0 s3, s7;
	s7 =	simm.s32 @!p0 $0x108  }
0x21: {  	s3 =	sadd.s32 s3, s9;
	s6 =	sadd.s32 @!p0 $0x88, s6;
	s7 =	simm.s32 @p2 $0x1082  }
0x22: {  	[simem:s7], [sflag:s8] =	dma.local @!p0 [hbm:s6], $0xF7A  }
0x23: {  	s9 =	sor.u32 $0xD0000000, s2;
	s6 =	simm.s32 $0x108;
	_ =	swait.ge @!p0 [sflag:s8], $0x0  }
0x24: {  	s3 =	sadd.s32 $0x88, s3;
	s6 =	simm.s32 @!p1 $0x1082;
	[sflag:s4] =	ssyncset.s32 $0xFFFFF086  }
0x25: {  	[simem:s6], [sflag:s4] =	dma.local [hbm:s3], $0xF7A  }
0x26: {  	[smem:$0x3F9D] =	sst s1;
	(tag) =	ssettag s2;
	_ =	strace s9  }
0x27: {  	s1 =	sld [smem:$0x3FAD]  }
0x28: {  	s2 =	sld [smem:$0x3FAE]  }
0x29: {  	s4 =	sld [smem:$0x3FB0]  }
0x2a: {  	p0 =	seq.s32 s5, $0x0;
	s5 =	sld [smem:$0x3FB1]  }
0x2b: {  	s6 =	sld [smem:$0x3FB2]  }
0x2c: {  	s7 =	sld [smem:$0x3FB3]  }
0x2d: {  	s3 =	simm.s32 $0x108;
	s8 =	sld [smem:$0x3FB4]  }
0x2e: {  	s3 =	simm.s32 @!p0 $0x1082;
	s9 =	sld [smem:$0x3FB5]  }
0x2f: {  	lr =	sadd.s32 s0, s3;
	s0 =	sld [smem:$0x3FAC]  }
0x30: {  	s3 =	sld [smem:$0x3FAF]  }
0x31: {  	[smem:$0x3FB8] =	sst s10  }
0x32: {  	s10 =	sld [smem:$0x3FB6];
	_ =	sdelay $0x3  }
0x33: {  	p0 =	seq.s32 s10, $0x1;
	s10 =	sld [smem:$0x3FB8];
	_ =	sdelay $0x3  }
0x34: {  	[smem:$0x3FB8] =	sst s10  }
0x35: {  	s10 =	sld [smem:$0x3FB7];
	_ =	sdelay $0x3  }
0x36: {  	p1 =	seq.s32 s10, $0x1;
	s10 =	sld [smem:$0x3FB8];
	_ =	sdelay $0x3  }
0x37: {  	[smem:$0x3FB8] =	sst s10  }
0x38: {  	s10 =	sld [smem:$0x3FB9]  }
0x39: {  	_ = 	snop;
	(pc) =	sbr.ind lr, $3  }
0x3a: {  	_ = 	snop  }
0x3b: {  	_ = 	snop  }
0x3c: {  	p2 =	seq.s32 s10, $0x1;
	s10 =	sld [smem:$0x3FB8]  }
0x3d: {  	_ =	shalt  }
0x3e: {  	_ =	shalt  }
0x3f: {  	_ =	shalt  }
0x40: {  	_ =	shalt  }
0x41: {  	_ =	shalt  }
0x42: {  	_ =	shalt  }
0x43: {  	_ =	shalt  }
0x44: {  	_ =	shalt  }
0x45: {  	_ =	shalt  }
0x46: {  	_ =	shalt  }
0x47: {  	_ =	shalt  }
0x48: {  	_ =	shalt  }
0x49: {  	_ =	shalt  }
0x4a: {  	_ =	shalt  }
0x4b: {  	_ =	shalt  }
0x4c: {  	_ =	shalt  }
0x4d: {  	_ =	shalt  }
0x4e: {  	_ =	shalt  }
0x4f: {  	_ =	shalt  }
0x50: {  	_ =	shalt  }
0x51: {  	_ =	shalt  }
0x52: {  	_ =	shalt  }
0x53: {  	_ =	shalt  }
0x54: {  	_ =	shalt  }
0x55: {  	_ =	shalt  }
0x56: {  	_ =	shalt  }
0x57: {  	_ =	shalt  }
0x58: {  	_ =	shalt  }
0x59: {  	_ =	shalt  }
0x5a: {  	_ =	shalt  }
0x5b: {  	_ =	shalt  }
0x5c: {  	_ =	shalt  }
0x5d: {  	_ =	shalt  }
0x5e: {  	_ =	shalt  }
0x5f: {  	_ =	shalt  }
0x60: {  	_ =	shalt  }
0x61: {  	_ =	shalt  }
0x62: {  	_ =	shalt  }
0x63: {  	_ =	shalt  }
0x64: {  	_ =	shalt  }
0x65: {  	_ =	shalt  }
0x66: {  	_ =	shalt  }
0x67: {  	_ =	shalt  }
0x68: {  	_ =	shalt  }
0x69: {  	_ =	shalt  }
0x6a: {  	_ =	shalt  }
0x6b: {  	_ =	shalt  }
0x6c: {  	_ =	shalt  }
0x6d: {  	_ =	shalt  }
0x6e: {  	_ =	shalt  }
0x6f: {  	_ =	shalt  }
0x70: {  	_ =	shalt  }
0x71: {  	_ =	shalt  }
0x72: {  	_ =	shalt  }
0x73: {  	_ =	shalt  }
0x74: {  	_ =	shalt  }
0x75: {  	_ =	shalt  }
0x76: {  	_ =	shalt  }
0x77: {  	_ =	shalt  }
0x78: {  	_ =	shalt  }
0x79: {  	_ =	shalt  }
0x7a: {  	_ =	shalt  }
0x7b: {  	_ =	shalt  }
0x7c: {  	_ =	shalt  }
0x7d: {  	_ =	shalt  }
0x7e: {  	_ =	shalt  }
0x7f: {  	_ =	shalt  }
0x80: {  	_ =	shalt  }
0x81: {  	_ =	shalt  }
0x82: {  	_ =	shalt  }
0x83: {  	_ =	shalt  }
0x84: {  	_ =	shalt  }
0x85: {  	_ =	shalt  }
0x86: {  	_ =	shalt  }
0x87: {  	_ =	shalt  }
.Lfunc_end0:
.L_simem_size_0:
called_computation.1_lowered:
.L_overlay_start_0:
0x88: {  	s2 =	sld [smem:$0x3FD9]  }
0x89: {  	s3 =	sld [smem:$0x3FFE];
	_ =	sdelay $0x1  }
0x8a: {  	s1 =	srdreg.scid  }
0x8b: {  	s0 =	sand.u32 $0x1, s1  }
0x8c: {  	s17 =	sshll.u32 s0, $0xA;
	s2 =	sadd.s32 s3, s2  }
0x8d: {  	s2 =	sadd.s32 s2, s17  }
0x8e: {  	[smem:$0x3FC4] =	sst s2  }
0x8f: {  	_ = 	snop  }
0x90: {  	s2 =	sld [smem:$0x3FD0];
	(tm) =	ssettm $0x1  }
0x91: {  	s18 =	sld [smem:$0x3FFB];
	_ =	sdelay $0x3  }
0x92: {  	_ =	strace s18  }
0x93: {  	s3 =	sld [smem:$0x3FFC];
	_ =	sdelay $0x3  }
0x94: {  	_ =	strace s3  }
0x95: {  	s3 =	sld [smem:$0x3FFD];
	_ =	sdelay $0x3  }
0x96: {  	_ =	strace s3  }
0x97: {  	_ =	strace $0x8FFFFFFF  }
0x98: {  	s19 =	sld [smem:$0x3FDB];
	_ =	sdelay $0x1  }
0x99: {  	s4 =	simm.s32 $_scs_section_size  }
0x9a: {  	s5 =	simm.s32 $_size__tile_overlayer_lowered;
	s6 =	simm.s32 $_tile_overlayer_lowered  }
0x9b: {  	s22 =	simm.s32 $0x1BFF;
	s21 =	sshll.u32 s6, $0x1;
	s3 =	sadd.s32 s4, s19  }
0x9c: {  	s7 =	simm.s32 $0x0;
	s20 =	sshll.u32 s5, $0x1;
	s5 =	sadd.s32 s21, s3  }
0x9d: {  	[timem:s7], [sflag:s22] =	dma.local [hbm:s5], s20  }
0x9e: {  	_ =	swait.ge [sflag:s22], s20  }
0x9f: {  	s4 =	ssub.s32 $0x0, s20;
	[sflag:s22] =	ssyncset.done $0x0  }
0xa0: {  	[sflag:s22] =	ssyncadd.s32 s4;
	_ =	sdelay $0x1  }
0xa1: {  	s23 =	simm.s32 $0x1B8B  }
0xa2: {  	_ =	swait.ge [sflag:s23], $0x1  }
0xa3: {  	[sflag:s23] =	ssyncset.done $0x0  }
0xa4: {  	s25 =	simm.s32 $0x1B8E;
	s24 =	sld [smem:$0x3FFE];
	[sflag:s23] =	ssyncadd.s32 $0xFFFFFFFF  }
0xa5: {  	s26 =	simm.s32 $execute0_lowered;
	[smem:$0x3FD2] =	sst s25  }
0xa6: {  	s5 =	sshll.u32 s26, $0x1;
	_ =	strace $0x80000049;
	[dreg:$0x1] =	wrdreg $0xFFFFFFFF  }
0xa7: {  	s28 =	simm.s32 $_size_execute0_lowered;
	s3 =	sadd.s32 s3, s5;
	[dreg:$0x0] =	wrdreg $0x0  }
0xa8: {  	s5 =	sshll.u32 s28, $0x1;
	[dreg:$0x2] =	wrdreg s3  }
0xa9: {  	[dreg:$0x3] =	wrdreg s5  }
0xaa: {  	[dreg:$0x4] =	wrdreg $0xC0  }
0xab: {  	_ =	task [dreg:s7], $0x5FFFF  }
0xac: {  	[dreg:$0x1] =	wrdreg $0xFFFFFFFF  }
0xad: {  	[dreg:$0x0] =	wrdreg $0x60  }
0xae: {  	[dreg:$0x2] =	wrdreg s2  }
0xaf: {  	[dreg:$0x3] =	wrdreg s24  }
0xb0: {  	[dreg:$0x4] =	wrdreg $0x82000  }
0xb1: {  	[dreg:$0x5] =	wrdreg $0x9  }
0xb2: {  	_ =	task.clear_ibuf [dreg:s7], $0x6FFFF;
	_ =	strace $0x90000049  }
0xb3: {  	s29 =	simm.s32 $0x9;
	_ =	strace $0x8000004B  }
0xb4: {  	_ =	swait.ge [sflag:s29], $0x1  }
0xb5: {  	[sflag:s29] =	ssyncadd.s32 $0xFFFFFFFF  }
0xb6: {  	_ =	strace $0x9000004B  }
0xb7: {  	_ =	sfence  }
0xb8: {  	s30 =	sld [smem:$0x0];
	_ =	sdelay $0x2  }
0xb9: {  	s31 =	sshll.u32 s1, $0xD;
	s1 =	sshrl.u32 s1, $0x2  }
0xba: {  	s3 =	sand.u32 $0x4000, s31;
	s1 =	sadd.s32 s1, s30  }
0xbb: {  	s0 =	sor.u32 s3, s0;
	s1 =	sshll.u32 s1, $0x11  }
0xbc: {  	s0 =	sor.u32 s1, s0  }
0xbd: {  	s0 =	sadd.s32 $0x8F2B, s0  }
0xbe: {  	[sflag:s0] =	ssyncadd.remote.s32 $0x1  }
0xbf: {  	_ =	sfence.sel $0xFFFF  }
0xc0: {  	[dreg:$0x0] =	wrdreg $0xFFFFFFFF;
	(pc) =	sbr.abs _section_cstart, $3  }
0xc1: {  	[dreg:$0x1] =	wrdreg $0xFFFFFFFF  }
0xc2: {  	_ =	task.clear_ibuf [dreg:s7], $0x2FFFF;
	_ =	strace $0x9FFFFFFF  }
0xc3: {  	(tm) =	ssettm $0x7FFFFFFF  }
tec
execute0_lowered:
.L_overlay_start_1:
0x0: {  	(tag) =	ssettag $0x1  }
0x1: {  	s17 =	rddreg [dreg:$0x0]  }
0x2: {  	s5 =	rddreg [dreg:$0x1];
	s0 =	srdreg.scid  }
0x3: {  	s2 =	rddreg [dreg:$0x2];
	s1 =	stileid.u32  }
0x4: {  	s3 =	simm.s32 $0x0;
	s19 =	simm.s32 $0x4;
	s20 =	simm.s32 $0x80  }
0x5: {  	s21 =	simm.s32 $0x180;
	s22 =	simm.s32 $0x4200;
	s7 =	smul.u32 $0x14000, s1  }
0x6: {  	s23 =	simm.s32 $0x2;
	s28 =	simm.s32 $0x0;
	s9 =	smul.u32 $0x50000, s1  }
0x7: {  	s6 =	sand.u32 $0x1, s0;
	s0 =	rddreg [dreg:$0x3];
	s30 =	smul.u32 $0x2780, s1  }
0x8: {  	[smem:$0x7FF] =	sst s3;
	s16 =	sadd.s32 $0x1600, s5;
	s4 =	smul.u32 $0x140000, s6  }
0x9: {  	_ =	strace $0x8000004A;
	s8 =	sshll.u32 s6, $0x4;
	s25 =	ssub.s32 $0x2, s6  }
0xa: {  	s11 =	smul.u32 $0x27800, s6;
	s24 =	sor.u32 s1, s8;
	s26 =	sshrl.u32 s9, $0x2  }
0xb: {  	s10 =	sshrl.u32 s25, $0x1;
	s4 =	sadd.s32 s7, s4;
	s29 =	smul.u32 $0x2780, s24  }
0xc: {  	s13 =	ssub.s32 s25, s10;
	s18 =	sadd.s32 s30, s11;
	s24 =	simm.s32 $0x1  }
0xd: {  	s25 =	simm.s32 $0x100;
	s7 =	sshrl.u32 s4, $0x3;
	s4 =	sadd.s32 $0xB400, s5  }
0xe: {  	s31 =	sadd.s32 $0x80, s18;
	s13 =	smax.u32 s13, $0x1;
	s18 =	sshrl.u32 s18, $0x3  }
0xf: {  	s12 =	sadd.s32 s7, s5;
	s5 =	sadd.s32 s26, s2;
	s14 =	sshrl.u32 s29, $0x3  }
0x10: {  	s15 =	sshrl.u32 s31, $0x3;
	s26 =	simm.s32 $0x3;
	s6 =	sadd.s32 $0x4000, s5  }
0x11: {  	s7 =	sadd.s32 $0x8000, s5;
	s8 =	sadd.s32 $0xC000, s5;
	s14 =	sadd.s32 $0x4E0, s14  }
0x12: {  	s9 =	sadd.s32 $0x10000, s5;
	s12 =	sadd.s32 $0x5B400, s12;
	s10 =	sadd.s32 s17, s14  }
0x13: {  	s11 =	sadd.s32 s16, s14;
	s14 =	sadd.s32 s15, s16;
	s15 =	sadd.s32 s15, s17  }
0x14: {  	v0 =	vimm.f32 $0.0e+00;
	v1 =	vimm.s32 $0x2710;
	s16 =	sadd.s32 s18, s16;
	s17 =	sadd.s32 s18, s17;
	s18 =	simm.s32 $0x200  }
.LBB2_1:
0x15: {  	s29 =	simm.s32 $0x0;
	s30 =	simm.s32 $0x200  }
.LBB2_2:
0x16: {  	p0 =	sne.s32 s30, $0xFE00;
	[tilespmem:s29+$0x270] =	vst v0  }
0x17: {  	[tilespmem:s29+$0x200] =	vst v0  }
0x18: {  	[tilespmem:s29+$0x210] =	vst v0  }
.Ltmp0:
0x19: {  	[tilespmem:s29+$0x220] =	vst v0;
	(pc) =	sbr.rel @p0 .LBB2_2-.Ltmp0, $4  }
0x1a: {  	[tilespmem:s29+$0x230] =	vst v0  }
0x1b: {  	[tilespmem:s29+$0x240] =	vst v0  }
0x1c: {  	[tilespmem:s29+$0x250] =	vst v0  }
0x1d: {  	[tilespmem:s29+$0x260] =	vst v0;
	s29 =	sshra.s32 s30, $0x2;
	s30 =	sadd.s32 $0x200, s30  }
0x1e: {  	[tilespmem:s29+$0x270] =	vst v0  }
0x1f: {  	[tilespmem:s29+$0x200] =	vst v0  }
0x20: {  	[tilespmem:s29+$0x210] =	vst v0  }
0x21: {  	[tilespmem:s29+$0x220] =	vst v0  }
0x22: {  	[tilespmem:s29+$0x230] =	vst v0  }
0x23: {  	[tilespmem:s29+$0x240] =	vst v0  }
0x24: {  	[tilespmem:s29+$0x250] =	vst v0  }
0x25: {  	[tilespmem:s29+$0x260] =	vst v0  }
0x26: {  	[spmem:s5] =	stream.linear.scatter [tilespmem:s18], [sflag:$0x4], $0x4000, $0x38;
	[tilespmem:$0x1C200] =	vst v63  }
0x27: {  	_ =	swait.ge [sflag:s19], $0x4000  }
0x28: {  	[sflag:s19] =	ssyncset.done $0x0  }
0x29: {  	[sflag:s19] =	ssyncadd.s32 $0xFFFFC000  }
0x2a: {  	[spmem:s6] =	stream.linear.scatter [tilespmem:s18], [sflag:$0x4], $0x4000, $0x38;
	[tilespmem:$0x1C200] =	vst v63  }
0x2b: {  	_ =	swait.ge [sflag:s19], $0x4000  }
0x2c: {  	[sflag:s19] =	ssyncset.done $0x0  }
0x2d: {  	[sflag:s19] =	ssyncadd.s32 $0xFFFFC000  }
0x2e: {  	[spmem:s7] =	stream.linear.scatter [tilespmem:s18], [sflag:$0x4], $0x4000, $0x38;
	[tilespmem:$0x1C200] =	vst v63  }
0x2f: {  	_ =	swait.ge [sflag:s19], $0x4000  }
0x30: {  	[sflag:s19] =	ssyncset.done $0x0  }
0x31: {  	[sflag:s19] =	ssyncadd.s32 $0xFFFFC000  }
0x32: {  	[spmem:s8] =	stream.linear.scatter [tilespmem:s18], [sflag:$0x4], $0x4000, $0x38;
	[tilespmem:$0x1C200] =	vst v63  }
0x33: {  	_ =	swait.ge [sflag:s19], $0x4000  }
0x34: {  	[sflag:s19] =	ssyncset.done $0x0  }
0x35: {  	[sflag:s19] =	ssyncadd.s32 $0xFFFFC000  }
0x36: {  	[spmem:s9] =	stream.linear.scatter [tilespmem:s18], [sflag:$0x4], $0x4000, $0x38;
	[tilespmem:$0x1C200] =	vst v63  }
0x37: {  	_ =	swait.ge [sflag:s19], $0x4000  }
0x38: {  	[sflag:s19] =	ssyncset.done $0x0  }
0x39: {  	[sflag:s19] =	ssyncadd.s32 $0xFFFFC000  }
0x3a: {  	[tilespmem:$0x80] =	vst v1  }
0x3b: {  	[tilespmem:$0x180] =	vst v1  }
0x3c: {  	[tilespmem:$0x90] =	vst v1  }
0x3d: {  	[tilespmem:$0x190] =	vst v1  }
0x3e: {  	[tilespmem:$0xA0] =	vst v1  }
0x3f: {  	[tilespmem:$0x1A0] =	vst v1  }
0x40: {  	[tilespmem:$0xB0] =	vst v1  }
0x41: {  	[tilespmem:$0x1B0] =	vst v1  }
0x42: {  	[tilespmem:$0xC0] =	vst v1  }
0x43: {  	[tilespmem:$0x1C0] =	vst v1  }
0x44: {  	[tilespmem:$0xD0] =	vst v1  }
0x45: {  	[tilespmem:$0x1D0] =	vst v1  }
0x46: {  	[tilespmem:$0xE0] =	vst v1  }
0x47: {  	[tilespmem:$0x1E0] =	vst v1  }
0x48: {  	[tilespmem:$0xF0] =	vst v1  }
0x49: {  	[tilespmem:$0x1F0] =	vst v1  }
0x4a: {  	[bflag:$0x0] =	sbarrier.arrive $0xFFFF  }
0x4b: {  	[spmem:s2] =	stream.indirect.scatter.add.f32 [tilespmem:s18], [sflag:$0x2], $0x80, s20, s20, $0xb8;
	[tilespmem:$0x1C200] =	vst v63  }
0x4c: {  	_ = 	snop  }
0x4d: {  	[spmem:s2] =	stream.indirect.scatter.add.f32 [tilespmem:s22], [sflag:$0x3], $0x80, s21, s20, $0xb8;
	[tilespmem:$0x1C200] =	vst v63  }
0x4e: {  	s29 =	sadd.s32 $0x0, s17  }
0x4f: {  	[tilespmem:s3], [sflag:$0x4] =	stream.linear.gather [hbm4b:s29+s3], $0x80, $0x38;
	[tilespmem:$0x1C200] =	vst v63  }
0x50: {  	_ =	swait.ge [sflag:s19], $0x80  }
0x51: {  	[sflag:s19] =	ssyncset.done $0x0  }
0x52: {  	[sflag:s19] =	ssyncadd.s32 $0xFFFFFF80  }
0x53: {  	_ =	swait.ge [sflag:s23], $0x4000  }
0x54: {  	[sflag:s23] =	ssyncset.done $0x0  }
0x55: {  	[sflag:s23] =	ssyncadd.s32 $0xFFFFC000  }
0x56: {  	[tilespmem:s18], [sflag:$0x1] =	stream.indirect.gather [hbm4b:s4+s20], $0x80, s3, s20, $0xb8;
	[tilespmem:$0x1C200] =	vst v63  }
0x57: {  	s29 =	sadd.s32 $0x0, s16  }
0x58: {  	[tilespmem:s20], [sflag:$0x4] =	stream.linear.gather [hbm4b:s29+s3], $0x80, $0x38;
	[tilespmem:$0x1C200] =	vst v63  }
0x59: {  	_ =	swait.ge [sflag:s19], $0x80  }
0x5a: {  	[sflag:s19] =	ssyncset.done $0x0  }
0x5b: {  	[sflag:s19] =	ssyncadd.s32 $0xFFFFFF80  }
0x5c: {  	_ =	swait.ge [sflag:s24], $0x4000  }
0x5d: {  	[sflag:s24] =	ssyncset.done $0x0  }
0x5e: {  	[sflag:s24] =	ssyncadd.s32 $0xFFFFC000  }
0x5f: {  	[spmem:s2] =	stream.indirect.scatter.add.f32 [tilespmem:s18], [sflag:$0x2], $0x80, s20, s20, $0xb8;
	[tilespmem:$0x1C200] =	vst v63  }
0x60: {  	s29 =	sadd.s32 $0x0, s15  }
0x61: {  	[tilespmem:s25], [sflag:$0x4] =	stream.linear.gather [hbm4b:s29+s3], $0x80, $0x38;
	[tilespmem:$0x1C200] =	vst v63  }
0x62: {  	_ =	swait.ge [sflag:s19], $0x80  }
0x63: {  	[sflag:s19] =	ssyncset.done $0x0  }
0x64: {  	[sflag:s19] =	ssyncadd.s32 $0xFFFFFF80  }
0x65: {  	_ =	swait.ge [sflag:s26], $0x4000  }
0x66: {  	[sflag:s26] =	ssyncset.done $0x0  }
0x67: {  	[sflag:s26] =	ssyncadd.s32 $0xFFFFC000  }
0x68: {  	[tilespmem:s22], [sflag:$0x1] =	stream.indirect.gather [hbm4b:s4+s20], $0x80, s25, s20, $0xb8;
	[tilespmem:$0x1C200] =	vst v63  }
0x69: {  	s29 =	sadd.s32 $0x0, s14  }
0x6a: {  	[tilespmem:s21], [sflag:$0x4] =	stream.linear.gather [hbm4b:s29+s3], $0x80, $0x38;
	[tilespmem:$0x1C200] =	vst v63  }
0x6b: {  	_ =	swait.ge [sflag:s19], $0x80  }
0x6c: {  	[sflag:s19] =	ssyncset.done $0x0  }
0x6d: {  	[sflag:s19] =	ssyncadd.s32 $0xFFFFFF80  }
0x6e: {  	_ =	swait.ge [sflag:s24], $0x4000  }
0x6f: {  	[sflag:s24] =	ssyncset.done $0x0  }
0x70: {  	s29 =	simm.s32 $0x20;
	[sflag:s24] =	ssyncadd.s32 $0xFFFFC000  }
.LBB2_4:
0x71: {  	[spmem:s2] =	stream.indirect.scatter.add.f32 [tilespmem:s22], [sflag:$0x3], $0x80, s21, s20, $0xb8;
	[tilespmem:$0x1C200] =	vst v63  }
0x72: {  	s30 =	smov.u32 s29  }
0x73: {  	p0 =	sne.s32 s29, $0x4C0;
	s29 =	sadd.s32 $0x20, s29;
	s31 =	sadd.s32 s30, s17  }
0x74: {  	[tilespmem:s3], [sflag:$0x4] =	stream.linear.gather [hbm4b:s31+s3], $0x80, $0x38;
	[tilespmem:$0x1C200] =	vst v63  }
0x75: {  	_ =	swait.ge [sflag:s19], $0x80  }
0x76: {  	[sflag:s19] =	ssyncset.done $0x0  }
0x77: {  	[sflag:s19] =	ssyncadd.s32 $0xFFFFFF80  }
0x78: {  	_ =	swait.ge [sflag:s23], $0x4000  }
0x79: {  	[sflag:s23] =	ssyncset.done $0x0  }
0x7a: {  	[sflag:s23] =	ssyncadd.s32 $0xFFFFC000  }
0x7b: {  	[tilespmem:s18], [sflag:$0x1] =	stream.indirect.gather [hbm4b:s4+s20], $0x80, s3, s20, $0xb8;
	[tilespmem:$0x1C200] =	vst v63  }
0x7c: {  	s31 =	sadd.s32 s30, s16  }
0x7d: {  	[tilespmem:s20], [sflag:$0x4] =	stream.linear.gather [hbm4b:s31+s3], $0x80, $0x38;
	[tilespmem:$0x1C200] =	vst v63  }
0x7e: {  	_ =	swait.ge [sflag:s19], $0x80  }
0x7f: {  	[sflag:s19] =	ssyncset.done $0x0  }
0x80: {  	[sflag:s19] =	ssyncadd.s32 $0xFFFFFF80  }
0x81: {  	_ =	swait.ge [sflag:s24], $0x4000  }
0x82: {  	[sflag:s24] =	ssyncset.done $0x0  }
0x83: {  	[sflag:s24] =	ssyncadd.s32 $0xFFFFC000  }
0x84: {  	[spmem:s2] =	stream.indirect.scatter.add.f32 [tilespmem:s18], [sflag:$0x2], $0x80, s20, s20, $0xb8;
	[tilespmem:$0x1C200] =	vst v63  }
0x85: {  	s31 =	sadd.s32 s30, s15  }
0x86: {  	[tilespmem:s25], [sflag:$0x4] =	stream.linear.gather [hbm4b:s31+s3], $0x80, $0x38;
	[tilespmem:$0x1C200] =	vst v63  }
0x87: {  	_ =	swait.ge [sflag:s19], $0x80  }
0x88: {  	[sflag:s19] =	ssyncset.done $0x0  }
0x89: {  	[sflag:s19] =	ssyncadd.s32 $0xFFFFFF80  }
0x8a: {  	_ =	swait.ge [sflag:s26], $0x4000  }
0x8b: {  	[sflag:s26] =	ssyncset.done $0x0  }
0x8c: {  	[sflag:s26] =	ssyncadd.s32 $0xFFFFC000  }
0x8d: {  	[tilespmem:s22], [sflag:$0x1] =	stream.indirect.gather [hbm4b:s4+s20], $0x80, s25, s20, $0xb8;
	[tilespmem:$0x1C200] =	vst v63  }
0x8e: {  	s30 =	sadd.s32 s30, s14  }
0x8f: {  	[tilespmem:s21], [sflag:$0x4] =	stream.linear.gather [hbm4b:s30+s3], $0x80, $0x38;
	[tilespmem:$0x1C200] =	vst v63  }
0x90: {  	_ =	swait.ge [sflag:s19], $0x80  }
.Ltmp1:
0x91: {  	[sflag:s19] =	ssyncset.done $0x0;
	(pc) =	sbr.rel @p0 .LBB2_4-.Ltmp1, $4  }
0x92: {  	[sflag:s19] =	ssyncadd.s32 $0xFFFFFF80  }
0x93: {  	_ =	swait.ge [sflag:s24], $0x4000  }
0x94: {  	[sflag:s24] =	ssyncset.done $0x0  }
0x95: {  	[sflag:s24] =	ssyncadd.s32 $0xFFFFC000  }
0x96: {  	[spmem:s2] =	stream.indirect.scatter.add.f32 [tilespmem:s22], [sflag:$0x3], $0x80, s21, s20, $0xb8;
	[tilespmem:$0x1C200] =	vst v63  }
0x97: {  	_ = 	snop  }
0x98: {  	[tilespmem:s3], [sflag:$0x4] =	stream.linear.gather [hbm4b:s10+s3], $0x80, $0x38;
	[tilespmem:$0x1C200] =	vst v63  }
0x99: {  	_ =	swait.ge [sflag:s19], $0x80  }
0x9a: {  	[sflag:s19] =	ssyncset.done $0x0  }
0x9b: {  	[sflag:s19] =	ssyncadd.s32 $0xFFFFFF80  }
0x9c: {  	_ =	swait.ge [sflag:s23], $0x4000  }
0x9d: {  	[sflag:s23] =	ssyncset.done $0x0  }
0x9e: {  	[sflag:s23] =	ssyncadd.s32 $0xFFFFC000  }
0x9f: {  	[tilespmem:s18], [sflag:$0x1] =	stream.indirect.gather [hbm4b:s4+s20], $0x80, s3, s20, $0xb8;
	[tilespmem:$0x1C200] =	vst v63  }
0xa0: {  	_ = 	snop  }
0xa1: {  	[tilespmem:s20], [sflag:$0x4] =	stream.linear.gather [hbm4b:s11+s3], $0x80, $0x38;
	[tilespmem:$0x1C200] =	vst v63  }
0xa2: {  	_ =	swait.ge [sflag:s19], $0x80  }
0xa3: {  	[sflag:s19] =	ssyncset.done $0x0  }
0xa4: {  	[sflag:s19] =	ssyncadd.s32 $0xFFFFFF80  }
0xa5: {  	_ =	swait.ge [sflag:s24], $0x4000  }
0xa6: {  	[sflag:s24] =	ssyncset.done $0x0  }
0xa7: {  	[sflag:s24] =	ssyncadd.s32 $0xFFFFC000  }
0xa8: {  	[spmem:s2] =	stream.indirect.scatter.add.f32 [tilespmem:s18], [sflag:$0x2], $0x80, s20, s20, $0xb8;
	[tilespmem:$0x1C200] =	vst v63  }
0xa9: {  	_ =	swait.ge [sflag:s23], $0x4000  }
0xaa: {  	[sflag:s23] =	ssyncset.done $0x0  }
0xab: {  	[sflag:s23] =	ssyncadd.s32 $0xFFFFC000  }
0xac: {  	_ =	swait.ge [sflag:s26], $0x4000  }
0xad: {  	s29 =	sshll.u32 s1, $0x6;
	s28 =	sadd.s32 $0x1, s28;
	[sflag:s26] =	ssyncset.done $0x0  }
0xae: {  	s30 =	sshrl.u32 s5, $0x3;
	p0 =	sne.s32 s28, s13;
	[sflag:s26] =	ssyncadd.s32 $0xFFFFC000  }
.Ltmp2:
0xaf: {  	s29 =	sor.u32 $0x1C04, s29;
	[bflag:$0x0] =	sbarrier.arrive $0xFFFF;
	(pc) =	sbr.rel @p0 .LBB2_1-.Ltmp2, $4  }
0xb0: {  	[hbm:s12], [sflag:s29] =	dma.local [spmem:s30], $0x2800  }
0xb1: {  	_ =	swait.ge [sflag:s19], $0x2800  }
0xb2: {  	[sflag:s19] =	ssyncset.done $0x0  }
0xb3: {  	[sflag:s19] =	ssyncadd.s32 $0xFFFFD800  }
0xb4: {  	_ =	sfence.sel $0x180000  }
0xb5: {  	[bflag:$0x0] =	sbarrier.arrive $0xFFFF  }
0xb6: {  	p0 =	sne.s32 s1, $0x0;
	_ =	strace $0x9000004A  }
0xb7: {  	s0 =	sadd.s32 @!p0 $0x100000, s0;
	[bflag:$0x2] =	sbarrier.arrive $0xFFFF  }
0xb8: {  	[sflag:s0] =	ssyncadd.tile.s32 @!p0 $0x1;
	_ =	shalt  }
.Lfunc_end2:
_tile_overlayer_lowered:
.L_overlay_start_2:
0xb9: {  	(tag) =	ssettag $0x2  }
0xba: {  	s0 =	rddreg [dreg:$0x0];
	s2 =	stileid.u32  }
0xbb: {  	s1 =	rddreg [dreg:$0x1];
	p0 =	sne.s32 s2, $0x0  }
0xbc: {  	s3 =	rddreg [dreg:$0x2];
	[bflag:$0x3] =	sbarrier.arrive $0xFFFF;
	s2 =	simm.s32 @!p0 $0x1C04  }
0xbd: {  	[timem:s3], [sflag:s2] =	dma.local @!p0 [hbm:s0], s1  }
0xbe: {  	s0 =	simm.s32 @!p0 $0x4  }
0xbf: {  	_ =	swait.ge @!p0 [sflag:s0], s1  }
0xc0: {  	s1 =	ssub.s32 @!p0 $0x0, s1;
	[sflag:s0] =	ssyncset.done @!p0 $0x0  }
0xc1: {  	[sflag:s0] =	ssyncadd.s32 @!p0 s1  }
0xc2: {  	[bflag:$0x3] =	sbarrier.arrive $0xFFFF  }
0xc3: {  	_ =	shalt  }

</sc_bundles>
